<compile_context>
chip_gen: v7x
topology: tpu7x:2x2x1
jax: 0.10.2.dev20260603
libtpu: 0.0.44.dev20260713+nightly
codegen_flags: <defaults>
</compile_context>

<pallas_src>
import functools

import jax
import jax.numpy as jnp
from jax import lax
from jax.experimental import pallas as pl
from jax.experimental.pallas import tpu as pltpu
from jax.experimental.pallas import tpu_sc as plsc

_F = 26
_V = 100000
_D = 64
_B = 4096
_EPS = 1e-5

_NW = 32
_BPW = _B * _F // _NW
_NBLK = _BPW // 128

_BT = 256
_NT = _B // _BT


def _sc_gather(table128, gid_fm):
    mesh = plsc.VectorSubcoreMesh(core_axis_name="c", subcore_axis_name="s")

    @functools.partial(
        pl.kernel,
        mesh=mesh,
        out_type=jax.ShapeDtypeStruct((_B * _F, 128), jnp.float32),
        scratch_types=[
            pltpu.VMEM((_BPW,), jnp.int32),
            pltpu.VMEM((128, 128), jnp.float32),
            pltpu.VMEM((128, 128), jnp.float32),
            pltpu.SemaphoreType.DMA,
            pltpu.SemaphoreType.DMA,
        ],
    )
    def gather_k(table_hbm, gid_hbm, out_hbm, idx_v, buf0, buf1, sem0, sem1):
        wid = lax.axis_index("s") * 2 + lax.axis_index("c")
        base = wid * _BPW
        pltpu.sync_copy(gid_hbm.at[wid], idx_v)

        @pl.loop(0, _NBLK // 2)
        def _(jj):
            j0 = jj * 2
            j1 = j0 + 1
            c0 = pltpu.async_copy(
                table_hbm.at[idx_v.at[pl.ds(j0 * 128, 128)]], buf0, sem0)
            c1 = pltpu.async_copy(
                table_hbm.at[idx_v.at[pl.ds(j1 * 128, 128)]], buf1, sem1)
            c0.wait()
            pltpu.sync_copy(buf0, out_hbm.at[pl.ds(base + j0 * 128, 128)])
            c1.wait()
            pltpu.sync_copy(buf1, out_hbm.at[pl.ds(base + j1 * 128, 128)])

    return gather_k(table128, gid_fm)


def _stats_of(u):
    return (jnp.sum(u, axis=0, keepdims=True),
            jnp.sum(u * u, axis=0, keepdims=True))


def _fold(st_ref, g_ref, be_ref):
    mu = st_ref[0:1, :] * (1.0 / _B)
    var = st_ref[1:2, :] * (1.0 / _B) - mu * mu
    s = g_ref[...] * lax.rsqrt(var + _EPS)
    t = be_ref[...] - mu * s
    return s, t


def _layer_first(dense, w, b):
    cin, cout = w.shape

    def body(x_ref, w_ref, b_ref, o_ref, st_ref):
        u = jnp.maximum(
            jnp.dot(x_ref[...], w_ref[...],
                    preferred_element_type=jnp.float32) + b_ref[...], 0.0)
        o_ref[...] = u
        cs, sq = _stats_of(u)

        @pl.when(pl.program_id(0) == 0)
        def _():
            st_ref[...] = jnp.zeros_like(st_ref)
        st_ref[0:1, :] += cs
        st_ref[1:2, :] += sq

    return pl.pallas_call(
        body,
        grid=(_NT,),
        in_specs=[
            pl.BlockSpec((_BT, cin), lambda i: (i, 0)),
            pl.BlockSpec((cin, cout), lambda i: (0, 0)),
            pl.BlockSpec((1, cout), lambda i: (0, 0)),
        ],
        out_specs=[
            pl.BlockSpec((_BT, cout), lambda i: (i, 0)),
            pl.BlockSpec((8, cout), lambda i: (0, 0)),
        ],
        out_shape=[
            jax.ShapeDtypeStruct((_B, cout), jnp.float32),
            jax.ShapeDtypeStruct((8, cout), jnp.float32),
        ],
    )(dense, w, b)


def _layer_bn(u_in, st_in, g, be, w, b):
    cin, cout = w.shape

    def body(x_ref, st_in_ref, g_ref, be_ref, w_ref, b_ref, o_ref, st_ref):
        s, t = _fold(st_in_ref, g_ref, be_ref)
        xn = x_ref[...] * s + t
        u = jnp.maximum(
            jnp.dot(xn, w_ref[...],
                    preferred_element_type=jnp.float32) + b_ref[...], 0.0)
        o_ref[...] = u
        cs, sq = _stats_of(u)

        @pl.when(pl.program_id(0) == 0)
        def _():
            st_ref[...] = jnp.zeros_like(st_ref)
        st_ref[0:1, :] += cs
        st_ref[1:2, :] += sq

    return pl.pallas_call(
        body,
        grid=(_NT,),
        in_specs=[
            pl.BlockSpec((_BT, cin), lambda i: (i, 0)),
            pl.BlockSpec((8, cin), lambda i: (0, 0)),
            pl.BlockSpec((1, cin), lambda i: (0, 0)),
            pl.BlockSpec((1, cin), lambda i: (0, 0)),
            pl.BlockSpec((cin, cout), lambda i: (0, 0)),
            pl.BlockSpec((1, cout), lambda i: (0, 0)),
        ],
        out_specs=[
            pl.BlockSpec((_BT, cout), lambda i: (i, 0)),
            pl.BlockSpec((8, cout), lambda i: (0, 0)),
        ],
        out_shape=[
            jax.ShapeDtypeStruct((_B, cout), jnp.float32),
            jax.ShapeDtypeStruct((8, cout), jnp.float32),
        ],
    )(u_in, st_in, g, be, w, b)


def _interact(embs3, u2, st2, g2, be2, msym, wzx, wx, b0):
    cout = wx.shape[1]

    def body(e_ref, x_ref, st_ref, g_ref, be_ref, m_ref, wzx_ref,
             wx_ref, b_ref, o_ref, sto_ref):
        s, t = _fold(st_ref, g_ref, be_ref)
        xx = x_ref[...] * s + t
        E = e_ref[:, :, :_D]
        Zee = lax.dot_general(E, E, (((2,), (2,)), ((0,), (0,))))
        zex = jnp.sum(E * xx[:, None, :], axis=2)
        acc = (jnp.dot(xx, wx_ref[...], preferred_element_type=jnp.float32)
               + jnp.dot(zex, wzx_ref[...], preferred_element_type=jnp.float32)
               + b_ref[...])
        for i in range(_F):
            acc = acc + jnp.dot(Zee[:, i, :], m_ref[i],
                                preferred_element_type=jnp.float32)
        u = jnp.maximum(acc, 0.0)
        o_ref[...] = u
        cs, sq = _stats_of(u)

        @pl.when(pl.program_id(0) == 0)
        def _():
            sto_ref[...] = jnp.zeros_like(sto_ref)
        sto_ref[0:1, :] += cs
        sto_ref[1:2, :] += sq

    return pl.pallas_call(
        body,
        grid=(_NT,),
        in_specs=[
            pl.BlockSpec((_BT, _F, 128), lambda i: (i, 0, 0)),
            pl.BlockSpec((_BT, _D), lambda i: (i, 0)),
            pl.BlockSpec((8, _D), lambda i: (0, 0)),
            pl.BlockSpec((1, _D), lambda i: (0, 0)),
            pl.BlockSpec((1, _D), lambda i: (0, 0)),
            pl.BlockSpec((_F, _F, cout), lambda i: (0, 0, 0)),
            pl.BlockSpec((_F, cout), lambda i: (0, 0)),
            pl.BlockSpec((_D, cout), lambda i: (0, 0)),
            pl.BlockSpec((1, cout), lambda i: (0, 0)),
        ],
        out_specs=[
            pl.BlockSpec((_BT, cout), lambda i: (i, 0)),
            pl.BlockSpec((8, cout), lambda i: (0, 0)),
        ],
        out_shape=[
            jax.ShapeDtypeStruct((_B, cout), jnp.float32),
            jax.ShapeDtypeStruct((8, cout), jnp.float32),
        ],
    )(embs3, u2, st2, g2, be2, msym, wzx, wx, b0)


def _final(u, st, g, be):
    def body(x_ref, st_ref, g_ref, be_ref, o_ref):
        s, t = _fold(st_ref, g_ref, be_ref)
        o_ref[...] = jax.nn.sigmoid(x_ref[...] * s + t)

    return pl.pallas_call(
        body,
        grid=(_NT,),
        in_specs=[
            pl.BlockSpec((_BT, 1), lambda i: (i, 0)),
            pl.BlockSpec((8, 1), lambda i: (0, 0)),
            pl.BlockSpec((1, 1), lambda i: (0, 0)),
            pl.BlockSpec((1, 1), lambda i: (0, 0)),
        ],
        out_specs=pl.BlockSpec((_BT, 1), lambda i: (i, 0)),
        out_shape=jax.ShapeDtypeStruct((_B, 1), jnp.float32),
    )(u, st, g, be)


def kernel(sparse_inputs, dense_inputs, emb, params):
    p = params

    table128 = jnp.concatenate(
        [jnp.pad(emb[:13], ((0, 0), (0, 0), (0, 128 - _D))
                 ).reshape(13 * _V, 128),
         jnp.pad(emb[13:], ((0, 0), (0, 0), (0, 128 - _D))
                 ).reshape(13 * _V, 128)], axis=0)
    gid_bm = (sparse_inputs.astype(jnp.int32)
              + (jnp.arange(_F, dtype=jnp.int32) * _V)[None, :]
              ).reshape(_NW, _BPW)
    rows = _sc_gather(table128, gid_bm)
    embs3 = rows.reshape(_B, _F, 128)

    def wt(i, pre):
        return p[f'{pre}{i}_W'].T, p[f'{pre}{i}_b'].reshape(1, -1)

    w0, b0 = wt(0, 'bot')
    w1, b1 = wt(1, 'bot')
    w2, b2 = wt(2, 'bot')
    tw0 = p['top0_W']
    wx = tw0[:, :_D].T
    wzt = tw0[:, _D:].T
    iu0, iu1 = jnp.triu_indices(_F + 1, k=1)
    m_full = jnp.zeros((_F + 1, _F + 1, tw0.shape[0]), jnp.float32)
    m_full = m_full.at[iu0, iu1].set(wzt)
    msym = m_full[:_F, :_F, :]
    wzx = m_full[:_F, _F, :]
    tb0 = p['top0_b'].reshape(1, -1)
    w4, b4 = wt(1, 'top')
    w5, b5 = wt(2, 'top')

    def bn(i, pre):
        return (p[f'{pre}{i}_g'].reshape(1, -1),
                p[f'{pre}{i}_beta'].reshape(1, -1))

    g0, be0 = bn(0, 'bot')
    g1, be1 = bn(1, 'bot')
    g2, be2 = bn(2, 'bot')
    g3, be3 = bn(0, 'top')
    g4, be4 = bn(1, 'top')
    g5, be5 = bn(2, 'top')

    u0, st0 = _layer_first(dense_inputs, w0, b0)
    u1, st1 = _layer_bn(u0, st0, g0, be0, w1, b1)
    u2, st2 = _layer_bn(u1, st1, g1, be1, w2, b2)
    u3, st3 = _interact(embs3, u2, st2, g2, be2, msym, wzx, wx, tb0)
    u4, st4 = _layer_bn(u3, st3, g3, be3, w4, b4)
    u5, st5 = _layer_bn(u4, st4, g4, be4, w5, b5)
    return _final(u5, st5, g5, be5)

# --- scband reference (transcript-rebuilt; emitter-appended) ---
"""Pipeline reference for scband-dlrm-22247930593410 (READ-ONLY COPY).

The authoritative reference and input builder live on the scoring server;
editing this copy changes nothing except your own understanding.
"""

import jax, jax.numpy as jnp
import numpy as np

NUM_FIELD = 26
VOCAB = 100000
EMB = 64
DENSE = 13
BOT = [512, 256, 64]
TOP = [512, 256, 1]
BATCH = 4096


def _linear_params(key, fin, fout):
    k1, k2 = jax.random.split(key)
    W = jax.random.normal(k1, (fout, fin), jnp.float32) * (1.0 / np.sqrt(fin))
    b = jax.random.normal(k2, (fout,), jnp.float32) * 0.01
    return W, b


def setup_inputs(seed: int = 0) -> dict:
    key = jax.random.key(seed)
    ks = jax.random.split(key, 16)
    params = {}
    bot_units = [DENSE] + BOT
    for i in range(len(BOT)):
        W, b = _linear_params(ks[i], bot_units[i], bot_units[i + 1])
        params['bot%d_W' % i] = W
        params['bot%d_b' % i] = b
        params['bot%d_g' % i] = jnp.ones((bot_units[i + 1],), jnp.float32)
        params['bot%d_beta' % i] = jnp.zeros((bot_units[i + 1],), jnp.float32)
    top_in = NUM_FIELD * (NUM_FIELD + 1) // 2 + EMB
    top_units = [top_in] + TOP
    for i in range(len(TOP)):
        W, b = _linear_params(ks[4 + i], top_units[i], top_units[i + 1])
        params['top%d_W' % i] = W
        params['top%d_b' % i] = b
        params['top%d_g' % i] = jnp.ones((top_units[i + 1],), jnp.float32)
        params['top%d_beta' % i] = jnp.zeros((top_units[i + 1],), jnp.float32)
    emb = jax.random.normal(ks[8], (NUM_FIELD, VOCAB, EMB), jnp.float32) * 0.05
    sparse_inputs = jax.random.randint(ks[9], (BATCH, NUM_FIELD), 0, VOCAB, dtype=jnp.int32)
    dense_inputs = jax.random.normal(ks[10], (BATCH, DENSE), jnp.float32)
    return {'sparse_inputs': sparse_inputs, 'dense_inputs': dense_inputs, 'emb': emb, 'params': params}


def _bn(x, g, b):
    mu = jnp.mean(x, axis=0, keepdims=True)
    var = jnp.var(x, axis=0, keepdims=True)
    return g * (x - mu) / jnp.sqrt(var + 1e-5) + b


def _mlp(x, params, prefix, n_layers, sigmoid_end):
    for i in range(n_layers):
        W = params[prefix + '%d_W' % i]
        b = params[prefix + '%d_b' % i]
        g = params[prefix + '%d_g' % i]
        be = params[prefix + '%d_beta' % i]
        x = x @ W.T + b
        x = jax.nn.relu(x)
        x = _bn(x, g, be)
    if sigmoid_end:
        x = jax.nn.sigmoid(x)
    return x


def _forward(dense_inputs, emb, params, sparse_inputs):
    x = _mlp(dense_inputs, params, 'bot', len(BOT), False)
    B, d = x.shape
    # per-field embedding lookups (gather)
    sparse_embs = emb[jnp.arange(NUM_FIELD)[None, :], sparse_inputs]  # [B, 26, 64]
    T = jnp.concatenate([sparse_embs, x[:, None, :]], axis=1)  # [B, 27, 64]
    Z = jnp.matmul(T, jnp.swapaxes(T, 1, 2))  # [B, 27, 27]
    F = NUM_FIELD + 1
    iu = jnp.triu_indices(F, k=1)
    Zflat = Z[:, iu[0], iu[1]]  # strict upper triangle, row-major, matches masked_select
    R = jnp.concatenate([x, Zflat], axis=1)
    y = _mlp(R, params, 'top', len(TOP), True)
    return y


def reference(sparse_inputs, dense_inputs, emb, params):
    return _forward(dense_inputs, emb, params, sparse_inputs)

if __name__ == "__main__":
    import jax
    _d = setup_inputs()
    print(jax.jit(kernel)(*tuple(_d.values())))

</pallas_src>

<mosaic_0001>
#map = affine_map<(d0, d1) -> (0, 0)>
module attributes {stable_mosaic.version = 14 : i64} {
  func.func @gather_k(%arg0: i32, %arg1: i32, %arg2: memref<2600000x128xf32, #tpu.memory_space<hbm>>, %arg3: memref<32x3328xi32, #tpu.memory_space<hbm>>, %arg4: memref<106496x128xf32, #tpu.memory_space<hbm>>, %arg5: memref<3328xi32, #tpu.memory_space<vmem>>, %arg6: memref<128x128xf32, #tpu.memory_space<vmem>>, %arg7: memref<128x128xf32, #tpu.memory_space<vmem>>, %arg8: memref<!tpu.dma_semaphore, #tpu.memory_space<semaphore_mem>>, %arg9: memref<!tpu.dma_semaphore, #tpu.memory_space<semaphore_mem>>) attributes {dimension_semantics = [#tpu.dimension_semantics<core_parallel>, #tpu.dimension_semantics<subcore_parallel>], iteration_bounds = array<i64: 2, 16>, scalar_prefetch = 0 : i64, scratch_operands = 5 : i64, tpu.core_type = #tpu.core_type<sc_vector_subcore>, window_params = [{transform_indices = #map}, {transform_indices = #map}, {transform_indices = #map}]} {
    %mul3A = arith.constant 2 : i32
    %mul3A_0 = arith.muli %arg1, %mul3A : i32
    %add3A = arith.addi %mul3A_0, %arg0 : i32
    %mul3A_1 = arith.constant 3328 : i32
    %mul3A_2 = arith.muli %add3A, %mul3A_1 : i32
    "tpu.region"() ({
      %run_scoped3A = tpu.sem_alloc : memref<!tpu.dma_semaphore, #tpu.memory_space<semaphore_mem>>
      %dma_start3A = arith.constant 0 : i32
      %dma_start3A_7 = tpu.memref_slice %arg3[%add3A, %dma_start3A] : memref<32x3328xi32, #tpu.memory_space<hbm>> -> memref<1x3328xi32, #tpu.memory_space<hbm>>
      %dma_start3A_8 = tpu.memref_squeeze %dma_start3A_7 : memref<1x3328xi32, #tpu.memory_space<hbm>> -> memref<3328xi32, #tpu.memory_space<hbm>>
      %dma_start3A_9 = arith.constant 0 : i32
      %dma_start3A_10 = tpu.memref_slice %arg3[%add3A, %dma_start3A_9] : memref<32x3328xi32, #tpu.memory_space<hbm>> -> memref<1x3328xi32, #tpu.memory_space<hbm>>
      %dma_start3A_11 = tpu.memref_squeeze %dma_start3A_10 : memref<1x3328xi32, #tpu.memory_space<hbm>> -> memref<3328xi32, #tpu.memory_space<hbm>>
      tpu.enqueue_dma source(%dma_start3A_11 : memref<3328xi32, #tpu.memory_space<hbm>>) target(%arg5 : memref<3328xi32, #tpu.memory_space<vmem>>) target_semaphore(%run_scoped3A : memref<!tpu.dma_semaphore, #tpu.memory_space<semaphore_mem>>)
      %dma_wait3A = arith.constant 0 : i32
      %dma_wait3A_12 = tpu.memref_slice %arg3[%add3A, %dma_wait3A] : memref<32x3328xi32, #tpu.memory_space<hbm>> -> memref<1x3328xi32, #tpu.memory_space<hbm>>
      %dma_wait3A_13 = tpu.memref_squeeze %dma_wait3A_12 : memref<1x3328xi32, #tpu.memory_space<hbm>> -> memref<3328xi32, #tpu.memory_space<hbm>>
      %dma_wait3A_14 = arith.constant 0 : i32
      %dma_wait3A_15 = tpu.memref_slice %arg3[%add3A, %dma_wait3A_14] : memref<32x3328xi32, #tpu.memory_space<hbm>> -> memref<1x3328xi32, #tpu.memory_space<hbm>>
      %dma_wait3A_16 = tpu.memref_squeeze %dma_wait3A_15 : memref<1x3328xi32, #tpu.memory_space<hbm>> -> memref<3328xi32, #tpu.memory_space<hbm>>
      tpu.wait_dma2 semaphore(%run_scoped3A : memref<!tpu.dma_semaphore, #tpu.memory_space<semaphore_mem>>) src(%dma_wait3A_16 : memref<3328xi32, #tpu.memory_space<hbm>>) dst(%arg5 : memref<3328xi32, #tpu.memory_space<vmem>>)
      tpu.yield
    }) : () -> ()
    %scan3A = arith.constant 0 : i32
    %scan3A_3 = arith.constant 13 : i32
    %scan3A_4 = arith.addi %scan3A, %scan3A_3 : i32
    %scan3A_5 = arith.constant 1 : i32
    scf.for %scan3A_7 = %scan3A to %scan3A_4 step %scan3A_5  : i32 {
      %mul3A_8 = arith.constant 1 : i32
      %mul3A_9 = arith.muli %scan3A_7, %mul3A_8 : i32
      %add3A_10 = arith.constant 0 : i32
      %add3A_11 = arith.addi %add3A_10, %mul3A_9 : i32
      %mul3A_12 = arith.constant 2 : i32
      %mul3A_13 = arith.muli %add3A_11, %mul3A_12 : i32
      %add3A_14 = arith.constant 1 : i32
      %add3A_15 = arith.addi %mul3A_13, %add3A_14 : i32
      %mul3A_16 = arith.constant 128 : i32
      %mul3A_17 = arith.muli %mul3A_13, %mul3A_16 : i32
      %dma_start3A = tpu.memref_slice %arg5[%mul3A_17] : memref<3328xi32, #tpu.memory_space<vmem>> -> memref<128xi32, #tpu.memory_space<vmem>>
      %dma_start3A_18 = arith.constant 0 : i32
      %dma_start3A_19 = arith.constant 0 : i32
      %dma_start3A_20 = tpu.memref_slice %arg2[%dma_start3A_18, %dma_start3A_19] : memref<2600000x128xf32, #tpu.memory_space<hbm>> -> memref<2600000x128xf32, #tpu.memory_space<hbm>>
      tpu.enqueue_indirect_dma source(%dma_start3A_20 : memref<2600000x128xf32, #tpu.memory_space<hbm>>) target(%arg6 : memref<128x128xf32, #tpu.memory_space<vmem>>) offsets(%dma_start3A : memref<128xi32, #tpu.memory_space<vmem>>) semaphore(%arg8 : memref<!tpu.dma_semaphore, #tpu.memory_space<semaphore_mem>>)
      %mul3A_21 = arith.constant 128 : i32
      %mul3A_22 = arith.muli %add3A_15, %mul3A_21 : i32
      %dma_start3A_23 = tpu.memref_slice %arg5[%mul3A_22] : memref<3328xi32, #tpu.memory_space<vmem>> -> memref<128xi32, #tpu.memory_space<vmem>>
      %dma_start3A_24 = arith.constant 0 : i32
      %dma_start3A_25 = arith.constant 0 : i32
      %dma_start3A_26 = tpu.memref_slice %arg2[%dma_start3A_24, %dma_start3A_25] : memref<2600000x128xf32, #tpu.memory_space<hbm>> -> memref<2600000x128xf32, #tpu.memory_space<hbm>>
      tpu.enqueue_indirect_dma source(%dma_start3A_26 : memref<2600000x128xf32, #tpu.memory_space<hbm>>) target(%arg7 : memref<128x128xf32, #tpu.memory_space<vmem>>) offsets(%dma_start3A_23 : memref<128xi32, #tpu.memory_space<vmem>>) semaphore(%arg9 : memref<!tpu.dma_semaphore, #tpu.memory_space<semaphore_mem>>)
      %dma_wait3A = tpu.memref_slice %arg5[%mul3A_17] : memref<3328xi32, #tpu.memory_space<vmem>> -> memref<128xi32, #tpu.memory_space<vmem>>
      %dma_wait3A_27 = arith.constant 0 : i32
      %dma_wait3A_28 = arith.constant 0 : i32
      %dma_wait3A_29 = tpu.memref_slice %arg2[%dma_wait3A_27, %dma_wait3A_28] : memref<2600000x128xf32, #tpu.memory_space<hbm>> -> memref<2600000x128xf32, #tpu.memory_space<hbm>>
      tpu.wait_indirect_dma semaphore(%arg8 : memref<!tpu.dma_semaphore, #tpu.memory_space<semaphore_mem>>) src(%dma_wait3A_29 : memref<2600000x128xf32, #tpu.memory_space<hbm>>) dst(%arg6 : memref<128x128xf32, #tpu.memory_space<vmem>>)
      %mul3A_30 = arith.constant 128 : i32
      %mul3A_31 = arith.muli %mul3A_13, %mul3A_30 : i32
      %add3A_32 = arith.addi %mul3A_2, %mul3A_31 : i32
      "tpu.region"() ({
        %run_scoped3A = tpu.sem_alloc : memref<!tpu.dma_semaphore, #tpu.memory_space<semaphore_mem>>
        %dma_start3A_40 = arith.constant 0 : i32
        %dma_start3A_41 = tpu.memref_slice %arg4[%add3A_32, %dma_start3A_40] : memref<106496x128xf32, #tpu.memory_space<hbm>> -> memref<128x128xf32, #tpu.memory_space<hbm>>
        %dma_start3A_42 = arith.constant 0 : i32
        %dma_start3A_43 = tpu.memref_slice %arg4[%add3A_32, %dma_start3A_42] : memref<106496x128xf32, #tpu.memory_space<hbm>> -> memref<128x128xf32, #tpu.memory_space<hbm>>
        tpu.enqueue_dma source(%arg6 : memref<128x128xf32, #tpu.memory_space<vmem>>) target(%dma_start3A_43 : memref<128x128xf32, #tpu.memory_space<hbm>>) target_semaphore(%run_scoped3A : memref<!tpu.dma_semaphore, #tpu.memory_space<semaphore_mem>>)
        %dma_wait3A_44 = arith.constant 0 : i32
        %dma_wait3A_45 = tpu.memref_slice %arg4[%add3A_32, %dma_wait3A_44] : memref<106496x128xf32, #tpu.memory_space<hbm>> -> memref<128x128xf32, #tpu.memory_space<hbm>>
        %dma_wait3A_46 = arith.constant 0 : i32
        %dma_wait3A_47 = tpu.memref_slice %arg4[%add3A_32, %dma_wait3A_46] : memref<106496x128xf32, #tpu.memory_space<hbm>> -> memref<128x128xf32, #tpu.memory_space<hbm>>
        tpu.wait_dma2 semaphore(%run_scoped3A : memref<!tpu.dma_semaphore, #tpu.memory_space<semaphore_mem>>) src(%arg6 : memref<128x128xf32, #tpu.memory_space<vmem>>) dst(%dma_wait3A_47 : memref<128x128xf32, #tpu.memory_space<hbm>>)
        tpu.yield
      }) : () -> ()
      %dma_wait3A_33 = tpu.memref_slice %arg5[%mul3A_22] : memref<3328xi32, #tpu.memory_space<vmem>> -> memref<128xi32, #tpu.memory_space<vmem>>
      %dma_wait3A_34 = arith.constant 0 : i32
      %dma_wait3A_35 = arith.constant 0 : i32
      %dma_wait3A_36 = tpu.memref_slice %arg2[%dma_wait3A_34, %dma_wait3A_35] : memref<2600000x128xf32, #tpu.memory_space<hbm>> -> memref<2600000x128xf32, #tpu.memory_space<hbm>>
      tpu.wait_indirect_dma semaphore(%arg9 : memref<!tpu.dma_semaphore, #tpu.memory_space<semaphore_mem>>) src(%dma_wait3A_36 : memref<2600000x128xf32, #tpu.memory_space<hbm>>) dst(%arg7 : memref<128x128xf32, #tpu.memory_space<vmem>>)
      %mul3A_37 = arith.constant 128 : i32
      %mul3A_38 = arith.muli %add3A_15, %mul3A_37 : i32
      %add3A_39 = arith.addi %mul3A_2, %mul3A_38 : i32
      "tpu.region"() ({
        %run_scoped3A = tpu.sem_alloc : memref<!tpu.dma_semaphore, #tpu.memory_space<semaphore_mem>>
        %dma_start3A_40 = arith.constant 0 : i32
        %dma_start3A_41 = tpu.memref_slice %arg4[%add3A_39, %dma_start3A_40] : memref<106496x128xf32, #tpu.memory_space<hbm>> -> memref<128x128xf32, #tpu.memory_space<hbm>>
        %dma_start3A_42 = arith.constant 0 : i32
        %dma_start3A_43 = tpu.memref_slice %arg4[%add3A_39, %dma_start3A_42] : memref<106496x128xf32, #tpu.memory_space<hbm>> -> memref<128x128xf32, #tpu.memory_space<hbm>>
        tpu.enqueue_dma source(%arg7 : memref<128x128xf32, #tpu.memory_space<vmem>>) target(%dma_start3A_43 : memref<128x128xf32, #tpu.memory_space<hbm>>) target_semaphore(%run_scoped3A : memref<!tpu.dma_semaphore, #tpu.memory_space<semaphore_mem>>)
        %dma_wait3A_44 = arith.constant 0 : i32
        %dma_wait3A_45 = tpu.memref_slice %arg4[%add3A_39, %dma_wait3A_44] : memref<106496x128xf32, #tpu.memory_space<hbm>> -> memref<128x128xf32, #tpu.memory_space<hbm>>
        %dma_wait3A_46 = arith.constant 0 : i32
        %dma_wait3A_47 = tpu.memref_slice %arg4[%add3A_39, %dma_wait3A_46] : memref<106496x128xf32, #tpu.memory_space<hbm>> -> memref<128x128xf32, #tpu.memory_space<hbm>>
        tpu.wait_dma2 semaphore(%run_scoped3A : memref<!tpu.dma_semaphore, #tpu.memory_space<semaphore_mem>>) src(%arg7 : memref<128x128xf32, #tpu.memory_space<vmem>>) dst(%dma_wait3A_47 : memref<128x128xf32, #tpu.memory_space<hbm>>)
        tpu.yield
      }) : () -> ()
    }
    %scan3A_6 = arith.constant 13 : i32
    return
  }
}

module attributes {stable_mosaic.version = 14 : i64} {
  func.func @body(%arg0: i32, %arg1: memref<256x13xf32, #tpu.memory_space<vmem>>, %arg2: memref<13x512xf32, #tpu.memory_space<vmem>>, %arg3: memref<1x512xf32, #tpu.memory_space<vmem>>, %arg4: memref<256x512xf32, #tpu.memory_space<vmem>>, %arg5: memref<8x512xf32, #tpu.memory_space<vmem>>) attributes {dimension_semantics = [#tpu.dimension_semantics<arbitrary>], iteration_bounds = array<i64: 16>, scalar_prefetch = 0 : i64, scratch_operands = 0 : i64, tpu.core_type = #tpu.core_type<tc>, window_params = [{transform_indices = @transform_0, window_bounds = array<i64: 256, 13>}, {pipeline_mode = #tpu.pipeline_mode<synchronous>, transform_indices = @transform_1, window_bounds = array<i64: 13, 512>}, {pipeline_mode = #tpu.pipeline_mode<synchronous>, transform_indices = @transform_2, window_bounds = array<i64: 1, 512>}, {transform_indices = @transform_3, window_bounds = array<i64: 256, 512>}, {pipeline_mode = #tpu.pipeline_mode<synchronous>, transform_indices = @transform_4, window_bounds = array<i64: 8, 512>}]} {
    %get3A = arith.constant 0 : index
    %get3A_0 = arith.constant 0 : index
    %get3A_1 = vector.load %arg1[%get3A, %get3A_0] : memref<256x13xf32, #tpu.memory_space<vmem>>, vector<256x13xf32>
    %get3A_2 = arith.constant 0 : index
    %get3A_3 = arith.constant 0 : index
    %get3A_4 = vector.load %arg2[%get3A_2, %get3A_3] : memref<13x512xf32, #tpu.memory_space<vmem>>, vector<13x512xf32>
    %dot_general3A = arith.constant dense<0.000000e+00> : vector<256x512xf32>
    %dot_general3A_5 = tpu.matmul %get3A_1, %get3A_4, %dot_general3A {dimension_numbers = #tpu.dot_dimension_numbers<[1], [0], [0], [1], [0, 0, 1, 1], [], []>, transpose_lhs_hint = false} : vector<256x13xf32>, vector<13x512xf32>, vector<256x512xf32> -> vector<256x512xf32>
    %get3A_6 = arith.constant 0 : index
    %get3A_7 = arith.constant 0 : index
    %get3A_8 = vector.load %arg3[%get3A_6, %get3A_7] : memref<1x512xf32, #tpu.memory_space<vmem>>, vector<1x512xf32>
    %add3A = vector.broadcast %get3A_8 : vector<1x512xf32> to vector<256x512xf32>
    %add3A_9 = arith.addf %dot_general3A_5, %add3A : vector<256x512xf32>
    %max3A = arith.constant 0.000000e+00 : f32
    %max3A_10 = vector.broadcast %max3A : f32 to vector<256x512xf32>
    %max3A_11 = arith.maximumf %add3A_9, %max3A_10 : vector<256x512xf32>
    %swap3A = arith.constant 0 : index
    %swap3A_12 = arith.constant 0 : index
    %swap3A_13 = vector.load %arg4[%swap3A, %swap3A_12] : memref<256x512xf32, #tpu.memory_space<vmem>>, vector<256x512xf32>
    tpu.vector_store %arg4[%swap3A, %swap3A_12], %max3A_11 {strides = array<i32>} : memref<256x512xf32, #tpu.memory_space<vmem>>, vector<256x512xf32>,
    %reduce_sum3A = arith.constant dense<0.000000e+00> : vector<512xf32>
    %reduce_sum3A_14 = vector.multi_reduction <add>, %max3A_11, %reduce_sum3A [0] : vector<256x512xf32> to vector<512xf32>
    %broadcast_in_dim3A = vector.shape_cast %reduce_sum3A_14 : vector<512xf32> to vector<1x512xf32>
    %mul3A = arith.mulf %max3A_11, %max3A_11 : vector<256x512xf32>
    %reduce_sum3A_15 = arith.constant dense<0.000000e+00> : vector<512xf32>
    %reduce_sum3A_16 = vector.multi_reduction <add>, %mul3A, %reduce_sum3A_15 [0] : vector<256x512xf32> to vector<512xf32>
    %broadcast_in_dim3A_17 = vector.shape_cast %reduce_sum3A_16 : vector<512xf32> to vector<1x512xf32>
    %eq3A = arith.constant 0 : i32
    %eq3A_18 = arith.cmpi eq, %arg0, %eq3A : i32
    %convert_element_type3A = arith.extui %eq3A_18 : i1 to i32
    %cond3A = arith.constant 0 : i32
    %cond3A_19 = arith.cmpi ne, %convert_element_type3A, %cond3A : i32
    scf.if %cond3A_19 {
      %broadcast_in_dim3A_34 = arith.constant 0.000000e+00 : f32
      %broadcast_in_dim3A_35 = vector.broadcast %broadcast_in_dim3A_34 : f32 to vector<8x512xf32>
      %swap3A_36 = arith.constant 0 : index
      %swap3A_37 = arith.constant 0 : index
      %swap3A_38 = vector.load %arg5[%swap3A_36, %swap3A_37] : memref<8x512xf32, #tpu.memory_space<vmem>>, vector<8x512xf32>
      tpu.vector_store %arg5[%swap3A_36, %swap3A_37], %broadcast_in_dim3A_35 {strides = array<i32>} : memref<8x512xf32, #tpu.memory_space<vmem>>, vector<8x512xf32>,
    } else {
    }
    %get3A_20 = arith.constant 0 : index
    %get3A_21 = arith.constant 0 : index
    %get3A_22 = vector.load %arg5[%get3A_20, %get3A_21] : memref<8x512xf32, #tpu.memory_space<vmem>>, vector<1x512xf32>
    %add3A_23 = arith.addf %get3A_22, %broadcast_in_dim3A : vector<1x512xf32>
    %swap3A_24 = arith.constant 0 : index
    %swap3A_25 = arith.constant 0 : index
    %swap3A_26 = vector.load %arg5[%swap3A_24, %swap3A_25] : memref<8x512xf32, #tpu.memory_space<vmem>>, vector<1x512xf32>
    tpu.vector_store %arg5[%swap3A_24, %swap3A_25], %add3A_23 {strides = array<i32>} : memref<8x512xf32, #tpu.memory_space<vmem>>, vector<1x512xf32>,
    %get3A_27 = arith.constant 1 : index
    %get3A_28 = arith.constant 0 : index
    %get3A_29 = vector.load %arg5[%get3A_27, %get3A_28] : memref<8x512xf32, #tpu.memory_space<vmem>>, vector<1x512xf32>
    %add3A_30 = arith.addf %get3A_29, %broadcast_in_dim3A_17 : vector<1x512xf32>
    %swap3A_31 = arith.constant 1 : index
    %swap3A_32 = arith.constant 0 : index
    %swap3A_33 = vector.load %arg5[%swap3A_31, %swap3A_32] : memref<8x512xf32, #tpu.memory_space<vmem>>, vector<1x512xf32>
    tpu.vector_store %arg5[%swap3A_31, %swap3A_32], %add3A_30 {strides = array<i32>} : memref<8x512xf32, #tpu.memory_space<vmem>>, vector<1x512xf32>,
    return
  }
  func.func @transform_0(%arg0: i32) -> (i32, i32) {
    %c0_i32 = arith.constant 0 : i32
    %c0_i32_0 = arith.constant 0 : i32
    return %arg0, %c0_i32 : i32, i32
  }
  func.func @transform_1(%arg0: i32) -> (i32, i32) {
    %c0_i32 = arith.constant 0 : i32
    %c0_i32_0 = arith.constant 0 : i32
    %c0_i32_1 = arith.constant 0 : i32
    return %c0_i32, %c0_i32_0 : i32, i32
  }
  func.func @transform_2(%arg0: i32) -> (i32, i32) {
    %c0_i32 = arith.constant 0 : i32
    %c0_i32_0 = arith.constant 0 : i32
    %c0_i32_1 = arith.constant 0 : i32
    return %c0_i32, %c0_i32_0 : i32, i32
  }
  func.func @transform_3(%arg0: i32) -> (i32, i32) {
    %c0_i32 = arith.constant 0 : i32
    %c0_i32_0 = arith.constant 0 : i32
    return %arg0, %c0_i32 : i32, i32
  }
  func.func @transform_4(%arg0: i32) -> (i32, i32) {
    %c0_i32 = arith.constant 0 : i32
    %c0_i32_0 = arith.constant 0 : i32
    %c0_i32_1 = arith.constant 0 : i32
    return %c0_i32, %c0_i32_0 : i32, i32
  }
}

module attributes {stable_mosaic.version = 14 : i64} {
  func.func @body(%arg0: i32, %arg1: memref<256x512xf32, #tpu.memory_space<vmem>>, %arg2: memref<8x512xf32, #tpu.memory_space<vmem>>, %arg3: memref<1x512xf32, #tpu.memory_space<vmem>>, %arg4: memref<1x512xf32, #tpu.memory_space<vmem>>, %arg5: memref<512x256xf32, #tpu.memory_space<vmem>>, %arg6: memref<1x256xf32, #tpu.memory_space<vmem>>, %arg7: memref<256x256xf32, #tpu.memory_space<vmem>>, %arg8: memref<8x256xf32, #tpu.memory_space<vmem>>) attributes {dimension_semantics = [#tpu.dimension_semantics<arbitrary>], iteration_bounds = array<i64: 16>, scalar_prefetch = 0 : i64, scratch_operands = 0 : i64, tpu.core_type = #tpu.core_type<tc>, window_params = [{transform_indices = @transform_0, window_bounds = array<i64: 256, 512>}, {pipeline_mode = #tpu.pipeline_mode<synchronous>, transform_indices = @transform_1, window_bounds = array<i64: 8, 512>}, {pipeline_mode = #tpu.pipeline_mode<synchronous>, transform_indices = @transform_2, window_bounds = array<i64: 1, 512>}, {pipeline_mode = #tpu.pipeline_mode<synchronous>, transform_indices = @transform_3, window_bounds = array<i64: 1, 512>}, {pipeline_mode = #tpu.pipeline_mode<synchronous>, transform_indices = @transform_4, window_bounds = array<i64: 512, 256>}, {pipeline_mode = #tpu.pipeline_mode<synchronous>, transform_indices = @transform_5, window_bounds = array<i64: 1, 256>}, {transform_indices = @transform_6, window_bounds = array<i64: 256, 256>}, {pipeline_mode = #tpu.pipeline_mode<synchronous>, transform_indices = @transform_7, window_bounds = array<i64: 8, 256>}]} {
    %get3A = arith.constant 0 : index
    %get3A_0 = arith.constant 0 : index
    %get3A_1 = vector.load %arg2[%get3A, %get3A_0] : memref<8x512xf32, #tpu.memory_space<vmem>>, vector<1x512xf32>
    %mul3A = arith.constant 2.44140625E-4 : f32
    %mul3A_2 = vector.broadcast %mul3A : f32 to vector<1x512xf32>
    %mul3A_3 = arith.mulf %get3A_1, %mul3A_2 : vector<1x512xf32>
    %get3A_4 = arith.constant 1 : index
    %get3A_5 = arith.constant 0 : index
    %get3A_6 = vector.load %arg2[%get3A_4, %get3A_5] : memref<8x512xf32, #tpu.memory_space<vmem>>, vector<1x512xf32>
    %mul3A_7 = arith.constant 2.44140625E-4 : f32
    %mul3A_8 = vector.broadcast %mul3A_7 : f32 to vector<1x512xf32>
    %mul3A_9 = arith.mulf %get3A_6, %mul3A_8 : vector<1x512xf32>
    %mul3A_10 = arith.mulf %mul3A_3, %mul3A_3 : vector<1x512xf32>
    %sub3A = arith.subf %mul3A_9, %mul3A_10 : vector<1x512xf32>
    %get3A_11 = arith.constant 0 : index
    %get3A_12 = arith.constant 0 : index
    %get3A_13 = vector.load %arg3[%get3A_11, %get3A_12] : memref<1x512xf32, #tpu.memory_space<vmem>>, vector<1x512xf32>
    %add3A = arith.constant 9.99999974E-6 : f32
    %add3A_14 = vector.broadcast %add3A : f32 to vector<1x512xf32>
    %add3A_15 = arith.addf %sub3A, %add3A_14 : vector<1x512xf32>
    %rsqrt3A = math.rsqrt %add3A_15 : vector<1x512xf32>
    %mul3A_16 = arith.mulf %get3A_13, %rsqrt3A : vector<1x512xf32>
    %get3A_17 = arith.constant 0 : index
    %get3A_18 = arith.constant 0 : index
    %get3A_19 = vector.load %arg4[%get3A_17, %get3A_18] : memref<1x512xf32, #tpu.memory_space<vmem>>, vector<1x512xf32>
    %mul3A_20 = arith.mulf %mul3A_3, %mul3A_16 : vector<1x512xf32>
    %sub3A_21 = arith.subf %get3A_19, %mul3A_20 : vector<1x512xf32>
    %get3A_22 = arith.constant 0 : index
    %get3A_23 = arith.constant 0 : index
    %get3A_24 = vector.load %arg1[%get3A_22, %get3A_23] : memref<256x512xf32, #tpu.memory_space<vmem>>, vector<256x512xf32>
    %mul3A_25 = vector.broadcast %mul3A_16 : vector<1x512xf32> to vector<256x512xf32>
    %mul3A_26 = arith.mulf %get3A_24, %mul3A_25 : vector<256x512xf32>
    %add3A_27 = vector.broadcast %sub3A_21 : vector<1x512xf32> to vector<256x512xf32>
    %add3A_28 = arith.addf %mul3A_26, %add3A_27 : vector<256x512xf32>
    %get3A_29 = arith.constant 0 : index
    %get3A_30 = arith.constant 0 : index
    %get3A_31 = vector.load %arg5[%get3A_29, %get3A_30] : memref<512x256xf32, #tpu.memory_space<vmem>>, vector<512x256xf32>
    %dot_general3A = arith.constant dense<0.000000e+00> : vector<256x256xf32>
    %dot_general3A_32 = tpu.matmul %add3A_28, %get3A_31, %dot_general3A {dimension_numbers = #tpu.dot_dimension_numbers<[1], [0], [0], [1], [0, 0, 1, 1], [], []>, transpose_lhs_hint = false} : vector<256x512xf32>, vector<512x256xf32>, vector<256x256xf32> -> vector<256x256xf32>
    %get3A_33 = arith.constant 0 : index
    %get3A_34 = arith.constant 0 : index
    %get3A_35 = vector.load %arg6[%get3A_33, %get3A_34] : memref<1x256xf32, #tpu.memory_space<vmem>>, vector<1x256xf32>
    %add3A_36 = vector.broadcast %get3A_35 : vector<1x256xf32> to vector<256x256xf32>
    %add3A_37 = arith.addf %dot_general3A_32, %add3A_36 : vector<256x256xf32>
    %max3A = arith.constant 0.000000e+00 : f32
    %max3A_38 = vector.broadcast %max3A : f32 to vector<256x256xf32>
    %max3A_39 = arith.maximumf %add3A_37, %max3A_38 : vector<256x256xf32>
    %swap3A = arith.constant 0 : index
    %swap3A_40 = arith.constant 0 : index
    %swap3A_41 = vector.load %arg7[%swap3A, %swap3A_40] : memref<256x256xf32, #tpu.memory_space<vmem>>, vector<256x256xf32>
    tpu.vector_store %arg7[%swap3A, %swap3A_40], %max3A_39 {strides = array<i32>} : memref<256x256xf32, #tpu.memory_space<vmem>>, vector<256x256xf32>,
    %reduce_sum3A = arith.constant dense<0.000000e+00> : vector<256xf32>
    %reduce_sum3A_42 = vector.multi_reduction <add>, %max3A_39, %reduce_sum3A [0] : vector<256x256xf32> to vector<256xf32>
    %broadcast_in_dim3A = vector.shape_cast %reduce_sum3A_42 : vector<256xf32> to vector<1x256xf32>
    %mul3A_43 = arith.mulf %max3A_39, %max3A_39 : vector<256x256xf32>
    %reduce_sum3A_44 = arith.constant dense<0.000000e+00> : vector<256xf32>
    %reduce_sum3A_45 = vector.multi_reduction <add>, %mul3A_43, %reduce_sum3A_44 [0] : vector<256x256xf32> to vector<256xf32>
    %broadcast_in_dim3A_46 = vector.shape_cast %reduce_sum3A_45 : vector<256xf32> to vector<1x256xf32>
    %eq3A = arith.constant 0 : i32
    %eq3A_47 = arith.cmpi eq, %arg0, %eq3A : i32
    %convert_element_type3A = arith.extui %eq3A_47 : i1 to i32
    %cond3A = arith.constant 0 : i32
    %cond3A_48 = arith.cmpi ne, %convert_element_type3A, %cond3A : i32
    scf.if %cond3A_48 {
      %broadcast_in_dim3A_63 = arith.constant 0.000000e+00 : f32
      %broadcast_in_dim3A_64 = vector.broadcast %broadcast_in_dim3A_63 : f32 to vector<8x256xf32>
      %swap3A_65 = arith.constant 0 : index
      %swap3A_66 = arith.constant 0 : index
      %swap3A_67 = vector.load %arg8[%swap3A_65, %swap3A_66] : memref<8x256xf32, #tpu.memory_space<vmem>>, vector<8x256xf32>
      tpu.vector_store %arg8[%swap3A_65, %swap3A_66], %broadcast_in_dim3A_64 {strides = array<i32>} : memref<8x256xf32, #tpu.memory_space<vmem>>, vector<8x256xf32>,
    } else {
    }
    %get3A_49 = arith.constant 0 : index
    %get3A_50 = arith.constant 0 : index
    %get3A_51 = vector.load %arg8[%get3A_49, %get3A_50] : memref<8x256xf32, #tpu.memory_space<vmem>>, vector<1x256xf32>
    %add3A_52 = arith.addf %get3A_51, %broadcast_in_dim3A : vector<1x256xf32>
    %swap3A_53 = arith.constant 0 : index
    %swap3A_54 = arith.constant 0 : index
    %swap3A_55 = vector.load %arg8[%swap3A_53, %swap3A_54] : memref<8x256xf32, #tpu.memory_space<vmem>>, vector<1x256xf32>
    tpu.vector_store %arg8[%swap3A_53, %swap3A_54], %add3A_52 {strides = array<i32>} : memref<8x256xf32, #tpu.memory_space<vmem>>, vector<1x256xf32>,
    %get3A_56 = arith.constant 1 : index
    %get3A_57 = arith.constant 0 : index
    %get3A_58 = vector.load %arg8[%get3A_56, %get3A_57] : memref<8x256xf32, #tpu.memory_space<vmem>>, vector<1x256xf32>
    %add3A_59 = arith.addf %get3A_58, %broadcast_in_dim3A_46 : vector<1x256xf32>
    %swap3A_60 = arith.constant 1 : index
    %swap3A_61 = arith.constant 0 : index
    %swap3A_62 = vector.load %arg8[%swap3A_60, %swap3A_61] : memref<8x256xf32, #tpu.memory_space<vmem>>, vector<1x256xf32>
    tpu.vector_store %arg8[%swap3A_60, %swap3A_61], %add3A_59 {strides = array<i32>} : memref<8x256xf32, #tpu.memory_space<vmem>>, vector<1x256xf32>,
    return
  }
  func.func @transform_0(%arg0: i32) -> (i32, i32) {
    %c0_i32 = arith.constant 0 : i32
    %c0_i32_0 = arith.constant 0 : i32
    return %arg0, %c0_i32 : i32, i32
  }
  func.func @transform_1(%arg0: i32) -> (i32, i32) {
    %c0_i32 = arith.constant 0 : i32
    %c0_i32_0 = arith.constant 0 : i32
    %c0_i32_1 = arith.constant 0 : i32
    return %c0_i32, %c0_i32_0 : i32, i32
  }
  func.func @transform_2(%arg0: i32) -> (i32, i32) {
    %c0_i32 = arith.constant 0 : i32
    %c0_i32_0 = arith.constant 0 : i32
    %c0_i32_1 = arith.constant 0 : i32
    return %c0_i32, %c0_i32_0 : i32, i32
  }
  func.func @transform_3(%arg0: i32) -> (i32, i32) {
    %c0_i32 = arith.constant 0 : i32
    %c0_i32_0 = arith.constant 0 : i32
    %c0_i32_1 = arith.constant 0 : i32
    return %c0_i32, %c0_i32_0 : i32, i32
  }
  func.func @transform_4(%arg0: i32) -> (i32, i32) {
    %c0_i32 = arith.constant 0 : i32
    %c0_i32_0 = arith.constant 0 : i32
    %c0_i32_1 = arith.constant 0 : i32
    return %c0_i32, %c0_i32_0 : i32, i32
  }
  func.func @transform_5(%arg0: i32) -> (i32, i32) {
    %c0_i32 = arith.constant 0 : i32
    %c0_i32_0 = arith.constant 0 : i32
    %c0_i32_1 = arith.constant 0 : i32
    return %c0_i32, %c0_i32_0 : i32, i32
  }
  func.func @transform_6(%arg0: i32) -> (i32, i32) {
    %c0_i32 = arith.constant 0 : i32
    %c0_i32_0 = arith.constant 0 : i32
    return %arg0, %c0_i32 : i32, i32
  }
  func.func @transform_7(%arg0: i32) -> (i32, i32) {
    %c0_i32 = arith.constant 0 : i32
    %c0_i32_0 = arith.constant 0 : i32
    %c0_i32_1 = arith.constant 0 : i32
    return %c0_i32, %c0_i32_0 : i32, i32
  }
}

module attributes {stable_mosaic.version = 14 : i64} {
  func.func @body(%arg0: i32, %arg1: memref<256x256xf32, #tpu.memory_space<vmem>>, %arg2: memref<8x256xf32, #tpu.memory_space<vmem>>, %arg3: memref<1x256xf32, #tpu.memory_space<vmem>>, %arg4: memref<1x256xf32, #tpu.memory_space<vmem>>, %arg5: memref<256x64xf32, #tpu.memory_space<vmem>>, %arg6: memref<1x64xf32, #tpu.memory_space<vmem>>, %arg7: memref<256x64xf32, #tpu.memory_space<vmem>>, %arg8: memref<8x64xf32, #tpu.memory_space<vmem>>) attributes {dimension_semantics = [#tpu.dimension_semantics<arbitrary>], iteration_bounds = array<i64: 16>, scalar_prefetch = 0 : i64, scratch_operands = 0 : i64, tpu.core_type = #tpu.core_type<tc>, window_params = [{transform_indices = @transform_0, window_bounds = array<i64: 256, 256>}, {pipeline_mode = #tpu.pipeline_mode<synchronous>, transform_indices = @transform_1, window_bounds = array<i64: 8, 256>}, {pipeline_mode = #tpu.pipeline_mode<synchronous>, transform_indices = @transform_2, window_bounds = array<i64: 1, 256>}, {pipeline_mode = #tpu.pipeline_mode<synchronous>, transform_indices = @transform_3, window_bounds = array<i64: 1, 256>}, {pipeline_mode = #tpu.pipeline_mode<synchronous>, transform_indices = @transform_4, window_bounds = array<i64: 256, 64>}, {pipeline_mode = #tpu.pipeline_mode<synchronous>, transform_indices = @transform_5, window_bounds = array<i64: 1, 64>}, {transform_indices = @transform_6, window_bounds = array<i64: 256, 64>}, {pipeline_mode = #tpu.pipeline_mode<synchronous>, transform_indices = @transform_7, window_bounds = array<i64: 8, 64>}]} {
    %get3A = arith.constant 0 : index
    %get3A_0 = arith.constant 0 : index
    %get3A_1 = vector.load %arg2[%get3A, %get3A_0] : memref<8x256xf32, #tpu.memory_space<vmem>>, vector<1x256xf32>
    %mul3A = arith.constant 2.44140625E-4 : f32
    %mul3A_2 = vector.broadcast %mul3A : f32 to vector<1x256xf32>
    %mul3A_3 = arith.mulf %get3A_1, %mul3A_2 : vector<1x256xf32>
    %get3A_4 = arith.constant 1 : index
    %get3A_5 = arith.constant 0 : index
    %get3A_6 = vector.load %arg2[%get3A_4, %get3A_5] : memref<8x256xf32, #tpu.memory_space<vmem>>, vector<1x256xf32>
    %mul3A_7 = arith.constant 2.44140625E-4 : f32
    %mul3A_8 = vector.broadcast %mul3A_7 : f32 to vector<1x256xf32>
    %mul3A_9 = arith.mulf %get3A_6, %mul3A_8 : vector<1x256xf32>
    %mul3A_10 = arith.mulf %mul3A_3, %mul3A_3 : vector<1x256xf32>
    %sub3A = arith.subf %mul3A_9, %mul3A_10 : vector<1x256xf32>
    %get3A_11 = arith.constant 0 : index
    %get3A_12 = arith.constant 0 : index
    %get3A_13 = vector.load %arg3[%get3A_11, %get3A_12] : memref<1x256xf32, #tpu.memory_space<vmem>>, vector<1x256xf32>
    %add3A = arith.constant 9.99999974E-6 : f32
    %add3A_14 = vector.broadcast %add3A : f32 to vector<1x256xf32>
    %add3A_15 = arith.addf %sub3A, %add3A_14 : vector<1x256xf32>
    %rsqrt3A = math.rsqrt %add3A_15 : vector<1x256xf32>
    %mul3A_16 = arith.mulf %get3A_13, %rsqrt3A : vector<1x256xf32>
    %get3A_17 = arith.constant 0 : index
    %get3A_18 = arith.constant 0 : index
    %get3A_19 = vector.load %arg4[%get3A_17, %get3A_18] : memref<1x256xf32, #tpu.memory_space<vmem>>, vector<1x256xf32>
    %mul3A_20 = arith.mulf %mul3A_3, %mul3A_16 : vector<1x256xf32>
    %sub3A_21 = arith.subf %get3A_19, %mul3A_20 : vector<1x256xf32>
    %get3A_22 = arith.constant 0 : index
    %get3A_23 = arith.constant 0 : index
    %get3A_24 = vector.load %arg1[%get3A_22, %get3A_23] : memref<256x256xf32, #tpu.memory_space<vmem>>, vector<256x256xf32>
    %mul3A_25 = vector.broadcast %mul3A_16 : vector<1x256xf32> to vector<256x256xf32>
    %mul3A_26 = arith.mulf %get3A_24, %mul3A_25 : vector<256x256xf32>
    %add3A_27 = vector.broadcast %sub3A_21 : vector<1x256xf32> to vector<256x256xf32>
    %add3A_28 = arith.addf %mul3A_26, %add3A_27 : vector<256x256xf32>
    %get3A_29 = arith.constant 0 : index
    %get3A_30 = arith.constant 0 : index
    %get3A_31 = vector.load %arg5[%get3A_29, %get3A_30] : memref<256x64xf32, #tpu.memory_space<vmem>>, vector<256x64xf32>
    %dot_general3A = arith.constant dense<0.000000e+00> : vector<256x64xf32>
    %dot_general3A_32 = tpu.matmul %add3A_28, %get3A_31, %dot_general3A {dimension_numbers = #tpu.dot_dimension_numbers<[1], [0], [0], [1], [0, 0, 1, 1], [], []>, transpose_lhs_hint = false} : vector<256x256xf32>, vector<256x64xf32>, vector<256x64xf32> -> vector<256x64xf32>
    %get3A_33 = arith.constant 0 : index
    %get3A_34 = arith.constant 0 : index
    %get3A_35 = vector.load %arg6[%get3A_33, %get3A_34] : memref<1x64xf32, #tpu.memory_space<vmem>>, vector<1x64xf32>
    %add3A_36 = vector.broadcast %get3A_35 : vector<1x64xf32> to vector<256x64xf32>
    %add3A_37 = arith.addf %dot_general3A_32, %add3A_36 : vector<256x64xf32>
    %max3A = arith.constant 0.000000e+00 : f32
    %max3A_38 = vector.broadcast %max3A : f32 to vector<256x64xf32>
    %max3A_39 = arith.maximumf %add3A_37, %max3A_38 : vector<256x64xf32>
    %swap3A = arith.constant 0 : index
    %swap3A_40 = arith.constant 0 : index
    %swap3A_41 = vector.load %arg7[%swap3A, %swap3A_40] : memref<256x64xf32, #tpu.memory_space<vmem>>, vector<256x64xf32>
    tpu.vector_store %arg7[%swap3A, %swap3A_40], %max3A_39 {strides = array<i32>} : memref<256x64xf32, #tpu.memory_space<vmem>>, vector<256x64xf32>,
    %reduce_sum3A = arith.constant dense<0.000000e+00> : vector<64xf32>
    %reduce_sum3A_42 = vector.multi_reduction <add>, %max3A_39, %reduce_sum3A [0] : vector<256x64xf32> to vector<64xf32>
    %broadcast_in_dim3A = vector.shape_cast %reduce_sum3A_42 : vector<64xf32> to vector<1x64xf32>
    %mul3A_43 = arith.mulf %max3A_39, %max3A_39 : vector<256x64xf32>
    %reduce_sum3A_44 = arith.constant dense<0.000000e+00> : vector<64xf32>
    %reduce_sum3A_45 = vector.multi_reduction <add>, %mul3A_43, %reduce_sum3A_44 [0] : vector<256x64xf32> to vector<64xf32>
    %broadcast_in_dim3A_46 = vector.shape_cast %reduce_sum3A_45 : vector<64xf32> to vector<1x64xf32>
    %eq3A = arith.constant 0 : i32
    %eq3A_47 = arith.cmpi eq, %arg0, %eq3A : i32
    %convert_element_type3A = arith.extui %eq3A_47 : i1 to i32
    %cond3A = arith.constant 0 : i32
    %cond3A_48 = arith.cmpi ne, %convert_element_type3A, %cond3A : i32
    scf.if %cond3A_48 {
      %broadcast_in_dim3A_63 = arith.constant 0.000000e+00 : f32
      %broadcast_in_dim3A_64 = vector.broadcast %broadcast_in_dim3A_63 : f32 to vector<8x64xf32>
      %swap3A_65 = arith.constant 0 : index
      %swap3A_66 = arith.constant 0 : index
      %swap3A_67 = vector.load %arg8[%swap3A_65, %swap3A_66] : memref<8x64xf32, #tpu.memory_space<vmem>>, vector<8x64xf32>
      tpu.vector_store %arg8[%swap3A_65, %swap3A_66], %broadcast_in_dim3A_64 {strides = array<i32>} : memref<8x64xf32, #tpu.memory_space<vmem>>, vector<8x64xf32>,
    } else {
    }
    %get3A_49 = arith.constant 0 : index
    %get3A_50 = arith.constant 0 : index
    %get3A_51 = vector.load %arg8[%get3A_49, %get3A_50] : memref<8x64xf32, #tpu.memory_space<vmem>>, vector<1x64xf32>
    %add3A_52 = arith.addf %get3A_51, %broadcast_in_dim3A : vector<1x64xf32>
    %swap3A_53 = arith.constant 0 : index
    %swap3A_54 = arith.constant 0 : index
    %swap3A_55 = vector.load %arg8[%swap3A_53, %swap3A_54] : memref<8x64xf32, #tpu.memory_space<vmem>>, vector<1x64xf32>
    tpu.vector_store %arg8[%swap3A_53, %swap3A_54], %add3A_52 {strides = array<i32>} : memref<8x64xf32, #tpu.memory_space<vmem>>, vector<1x64xf32>,
    %get3A_56 = arith.constant 1 : index
    %get3A_57 = arith.constant 0 : index
    %get3A_58 = vector.load %arg8[%get3A_56, %get3A_57] : memref<8x64xf32, #tpu.memory_space<vmem>>, vector<1x64xf32>
    %add3A_59 = arith.addf %get3A_58, %broadcast_in_dim3A_46 : vector<1x64xf32>
    %swap3A_60 = arith.constant 1 : index
    %swap3A_61 = arith.constant 0 : index
    %swap3A_62 = vector.load %arg8[%swap3A_60, %swap3A_61] : memref<8x64xf32, #tpu.memory_space<vmem>>, vector<1x64xf32>
    tpu.vector_store %arg8[%swap3A_60, %swap3A_61], %add3A_59 {strides = array<i32>} : memref<8x64xf32, #tpu.memory_space<vmem>>, vector<1x64xf32>,
    return
  }
  func.func @transform_0(%arg0: i32) -> (i32, i32) {
    %c0_i32 = arith.constant 0 : i32
    %c0_i32_0 = arith.constant 0 : i32
    return %arg0, %c0_i32 : i32, i32
  }
  func.func @transform_1(%arg0: i32) -> (i32, i32) {
    %c0_i32 = arith.constant 0 : i32
    %c0_i32_0 = arith.constant 0 : i32
    %c0_i32_1 = arith.constant 0 : i32
    return %c0_i32, %c0_i32_0 : i32, i32
  }
  func.func @transform_2(%arg0: i32) -> (i32, i32) {
    %c0_i32 = arith.constant 0 : i32
    %c0_i32_0 = arith.constant 0 : i32
    %c0_i32_1 = arith.constant 0 : i32
    return %c0_i32, %c0_i32_0 : i32, i32
  }
  func.func @transform_3(%arg0: i32) -> (i32, i32) {
    %c0_i32 = arith.constant 0 : i32
    %c0_i32_0 = arith.constant 0 : i32
    %c0_i32_1 = arith.constant 0 : i32
    return %c0_i32, %c0_i32_0 : i32, i32
  }
  func.func @transform_4(%arg0: i32) -> (i32, i32) {
    %c0_i32 = arith.constant 0 : i32
    %c0_i32_0 = arith.constant 0 : i32
    %c0_i32_1 = arith.constant 0 : i32
    return %c0_i32, %c0_i32_0 : i32, i32
  }
  func.func @transform_5(%arg0: i32) -> (i32, i32) {
    %c0_i32 = arith.constant 0 : i32
    %c0_i32_0 = arith.constant 0 : i32
    %c0_i32_1 = arith.constant 0 : i32
    return %c0_i32, %c0_i32_0 : i32, i32
  }
  func.func @transform_6(%arg0: i32) -> (i32, i32) {
    %c0_i32 = arith.constant 0 : i32
    %c0_i32_0 = arith.constant 0 : i32
    return %arg0, %c0_i32 : i32, i32
  }
  func.func @transform_7(%arg0: i32) -> (i32, i32) {
    %c0_i32 = arith.constant 0 : i32
    %c0_i32_0 = arith.constant 0 : i32
    %c0_i32_1 = arith.constant 0 : i32
    return %c0_i32, %c0_i32_0 : i32, i32
  }
}

module attributes {stable_mosaic.version = 14 : i64} {
  func.func @body(%arg0: i32, %arg1: memref<256x26x128xf32, #tpu.memory_space<vmem>>, %arg2: memref<256x64xf32, #tpu.memory_space<vmem>>, %arg3: memref<8x64xf32, #tpu.memory_space<vmem>>, %arg4: memref<1x64xf32, #tpu.memory_space<vmem>>, %arg5: memref<1x64xf32, #tpu.memory_space<vmem>>, %arg6: memref<26x26x512xf32, #tpu.memory_space<vmem>>, %arg7: memref<26x512xf32, #tpu.memory_space<vmem>>, %arg8: memref<64x512xf32, #tpu.memory_space<vmem>>, %arg9: memref<1x512xf32, #tpu.memory_space<vmem>>, %arg10: memref<256x512xf32, #tpu.memory_space<vmem>>, %arg11: memref<8x512xf32, #tpu.memory_space<vmem>>) attributes {dimension_semantics = [#tpu.dimension_semantics<arbitrary>], iteration_bounds = array<i64: 16>, scalar_prefetch = 0 : i64, scratch_operands = 0 : i64, tpu.core_type = #tpu.core_type<tc>, window_params = [{transform_indices = @transform_0, window_bounds = array<i64: 256, 26, 128>}, {transform_indices = @transform_1, window_bounds = array<i64: 256, 64>}, {pipeline_mode = #tpu.pipeline_mode<synchronous>, transform_indices = @transform_2, window_bounds = array<i64: 8, 64>}, {pipeline_mode = #tpu.pipeline_mode<synchronous>, transform_indices = @transform_3, window_bounds = array<i64: 1, 64>}, {pipeline_mode = #tpu.pipeline_mode<synchronous>, transform_indices = @transform_4, window_bounds = array<i64: 1, 64>}, {pipeline_mode = #tpu.pipeline_mode<synchronous>, transform_indices = @transform_5, window_bounds = array<i64: 26, 26, 512>}, {pipeline_mode = #tpu.pipeline_mode<synchronous>, transform_indices = @transform_6, window_bounds = array<i64: 26, 512>}, {pipeline_mode = #tpu.pipeline_mode<synchronous>, transform_indices = @transform_7, window_bounds = array<i64: 64, 512>}, {pipeline_mode = #tpu.pipeline_mode<synchronous>, transform_indices = @transform_8, window_bounds = array<i64: 1, 512>}, {transform_indices = @transform_9, window_bounds = array<i64: 256, 512>}, {pipeline_mode = #tpu.pipeline_mode<synchronous>, transform_indices = @transform_10, window_bounds = array<i64: 8, 512>}]} {
    %get3A = arith.constant 0 : index
    %get3A_0 = arith.constant 0 : index
    %get3A_1 = vector.load %arg3[%get3A, %get3A_0] : memref<8x64xf32, #tpu.memory_space<vmem>>, vector<1x64xf32>
    %mul3A = arith.constant 2.44140625E-4 : f32
    %mul3A_2 = vector.broadcast %mul3A : f32 to vector<1x64xf32>
    %mul3A_3 = arith.mulf %get3A_1, %mul3A_2 : vector<1x64xf32>
    %get3A_4 = arith.constant 1 : index
    %get3A_5 = arith.constant 0 : index
    %get3A_6 = vector.load %arg3[%get3A_4, %get3A_5] : memref<8x64xf32, #tpu.memory_space<vmem>>, vector<1x64xf32>
    %mul3A_7 = arith.constant 2.44140625E-4 : f32
    %mul3A_8 = vector.broadcast %mul3A_7 : f32 to vector<1x64xf32>
    %mul3A_9 = arith.mulf %get3A_6, %mul3A_8 : vector<1x64xf32>
    %mul3A_10 = arith.mulf %mul3A_3, %mul3A_3 : vector<1x64xf32>
    %sub3A = arith.subf %mul3A_9, %mul3A_10 : vector<1x64xf32>
    %get3A_11 = arith.constant 0 : index
    %get3A_12 = arith.constant 0 : index
    %get3A_13 = vector.load %arg4[%get3A_11, %get3A_12] : memref<1x64xf32, #tpu.memory_space<vmem>>, vector<1x64xf32>
    %add3A = arith.constant 9.99999974E-6 : f32
    %add3A_14 = vector.broadcast %add3A : f32 to vector<1x64xf32>
    %add3A_15 = arith.addf %sub3A, %add3A_14 : vector<1x64xf32>
    %rsqrt3A = math.rsqrt %add3A_15 : vector<1x64xf32>
    %mul3A_16 = arith.mulf %get3A_13, %rsqrt3A : vector<1x64xf32>
    %get3A_17 = arith.constant 0 : index
    %get3A_18 = arith.constant 0 : index
    %get3A_19 = vector.load %arg5[%get3A_17, %get3A_18] : memref<1x64xf32, #tpu.memory_space<vmem>>, vector<1x64xf32>
    %mul3A_20 = arith.mulf %mul3A_3, %mul3A_16 : vector<1x64xf32>
    %sub3A_21 = arith.subf %get3A_19, %mul3A_20 : vector<1x64xf32>
    %get3A_22 = arith.constant 0 : index
    %get3A_23 = arith.constant 0 : index
    %get3A_24 = vector.load %arg2[%get3A_22, %get3A_23] : memref<256x64xf32, #tpu.memory_space<vmem>>, vector<256x64xf32>
    %mul3A_25 = vector.broadcast %mul3A_16 : vector<1x64xf32> to vector<256x64xf32>
    %mul3A_26 = arith.mulf %get3A_24, %mul3A_25 : vector<256x64xf32>
    %add3A_27 = vector.broadcast %sub3A_21 : vector<1x64xf32> to vector<256x64xf32>
    %add3A_28 = arith.addf %mul3A_26, %add3A_27 : vector<256x64xf32>
    %get3A_29 = arith.constant 0 : index
    %get3A_30 = arith.constant 0 : index
    %get3A_31 = arith.constant 0 : index
    %get3A_32 = vector.load %arg1[%get3A_29, %get3A_30, %get3A_31] : memref<256x26x128xf32, #tpu.memory_space<vmem>>, vector<256x26x64xf32>
    %dot_general3A = arith.constant dense<0.000000e+00> : vector<256x26x26xf32>
    %dot_general3A_33 = tpu.matmul %get3A_32, %get3A_32, %dot_general3A {dimension_numbers = #tpu.dot_dimension_numbers<[2], [2], [1], [1], [0, 0, 0, 1, 1, 1], [0], [0]>, transpose_lhs_hint = false} : vector<256x26x64xf32>, vector<256x26x64xf32>, vector<256x26x26xf32> -> vector<256x26x26xf32>
    %broadcast_in_dim3A = vector.shape_cast %add3A_28 : vector<256x64xf32> to vector<256x1x64xf32>
    %mul3A_34 = vector.broadcast %broadcast_in_dim3A : vector<256x1x64xf32> to vector<256x26x64xf32>
    %mul3A_35 = arith.mulf %get3A_32, %mul3A_34 : vector<256x26x64xf32>
    %reduce_sum3A = arith.constant dense<0.000000e+00> : vector<256x26xf32>
    %reduce_sum3A_36 = vector.multi_reduction <add>, %mul3A_35, %reduce_sum3A [2] : vector<256x26x64xf32> to vector<256x26xf32>
    %get3A_37 = arith.constant 0 : index
    %get3A_38 = arith.constant 0 : index
    %get3A_39 = vector.load %arg8[%get3A_37, %get3A_38] : memref<64x512xf32, #tpu.memory_space<vmem>>, vector<64x512xf32>
    %dot_general3A_40 = arith.constant dense<0.000000e+00> : vector<256x512xf32>
    %dot_general3A_41 = tpu.matmul %add3A_28, %get3A_39, %dot_general3A_40 {dimension_numbers = #tpu.dot_dimension_numbers<[1], [0], [0], [1], [0, 0, 1, 1], [], []>, transpose_lhs_hint = false} : vector<256x64xf32>, vector<64x512xf32>, vector<256x512xf32> -> vector<256x512xf32>
    %get3A_42 = arith.constant 0 : index
    %get3A_43 = arith.constant 0 : index
    %get3A_44 = vector.load %arg7[%get3A_42, %get3A_43] : memref<26x512xf32, #tpu.memory_space<vmem>>, vector<26x512xf32>
    %dot_general3A_45 = arith.constant dense<0.000000e+00> : vector<256x512xf32>
    %dot_general3A_46 = tpu.matmul %reduce_sum3A_36, %get3A_44, %dot_general3A_45 {dimension_numbers = #tpu.dot_dimension_numbers<[1], [0], [0], [1], [0, 0, 1, 1], [], []>, transpose_lhs_hint = false} : vector<256x26xf32>, vector<26x512xf32>, vector<256x512xf32> -> vector<256x512xf32>
    %add3A_47 = arith.addf %dot_general3A_41, %dot_general3A_46 : vector<256x512xf32>
    %get3A_48 = arith.constant 0 : index
    %get3A_49 = arith.constant 0 : index
    %get3A_50 = vector.load %arg9[%get3A_48, %get3A_49] : memref<1x512xf32, #tpu.memory_space<vmem>>, vector<1x512xf32>
    %add3A_51 = vector.broadcast %get3A_50 : vector<1x512xf32> to vector<256x512xf32>
    %add3A_52 = arith.addf %add3A_47, %add3A_51 : vector<256x512xf32>
    %slice3A = vector.extract_strided_slice %dot_general3A_33 {offsets = [0, 0, 0], sizes = [256, 1, 26], strides = [1, 1, 1]} : vector<256x26x26xf32> to vector<256x1x26xf32>
    %squeeze3A = vector.shape_cast %slice3A : vector<256x1x26xf32> to vector<256x26xf32>
    %get3A_53 = arith.constant 0 : index
    %get3A_54 = arith.constant 0 : index
    %get3A_55 = arith.constant 0 : index
    %get3A_56 = vector.load %arg6[%get3A_53, %get3A_54, %get3A_55] : memref<26x26x512xf32, #tpu.memory_space<vmem>>, vector<1x26x512xf32>
    %get3A_57 = vector.shape_cast %get3A_56 : vector<1x26x512xf32> to vector<26x512xf32>
    %dot_general3A_58 = arith.constant dense<0.000000e+00> : vector<256x512xf32>
    %dot_general3A_59 = tpu.matmul %squeeze3A, %get3A_57, %dot_general3A_58 {dimension_numbers = #tpu.dot_dimension_numbers<[1], [0], [0], [1], [0, 0, 1, 1], [], []>, transpose_lhs_hint = false} : vector<256x26xf32>, vector<26x512xf32>, vector<256x512xf32> -> vector<256x512xf32>
    %add3A_60 = arith.addf %add3A_52, %dot_general3A_59 : vector<256x512xf32>
    %slice3A_61 = vector.extract_strided_slice %dot_general3A_33 {offsets = [0, 1, 0], sizes = [256, 1, 26], strides = [1, 1, 1]} : vector<256x26x26xf32> to vector<256x1x26xf32>
    %squeeze3A_62 = vector.shape_cast %slice3A_61 : vector<256x1x26xf32> to vector<256x26xf32>
    %get3A_63 = arith.constant 1 : index
    %get3A_64 = arith.constant 0 : index
    %get3A_65 = arith.constant 0 : index
    %get3A_66 = vector.load %arg6[%get3A_63, %get3A_64, %get3A_65] : memref<26x26x512xf32, #tpu.memory_space<vmem>>, vector<1x26x512xf32>
    %get3A_67 = vector.shape_cast %get3A_66 : vector<1x26x512xf32> to vector<26x512xf32>
    %dot_general3A_68 = arith.constant dense<0.000000e+00> : vector<256x512xf32>
    %dot_general3A_69 = tpu.matmul %squeeze3A_62, %get3A_67, %dot_general3A_68 {dimension_numbers = #tpu.dot_dimension_numbers<[1], [0], [0], [1], [0, 0, 1, 1], [], []>, transpose_lhs_hint = false} : vector<256x26xf32>, vector<26x512xf32>, vector<256x512xf32> -> vector<256x512xf32>
    %add3A_70 = arith.addf %add3A_60, %dot_general3A_69 : vector<256x512xf32>
    %slice3A_71 = vector.extract_strided_slice %dot_general3A_33 {offsets = [0, 2, 0], sizes = [256, 1, 26], strides = [1, 1, 1]} : vector<256x26x26xf32> to vector<256x1x26xf32>
    %squeeze3A_72 = vector.shape_cast %slice3A_71 : vector<256x1x26xf32> to vector<256x26xf32>
    %get3A_73 = arith.constant 2 : index
    %get3A_74 = arith.constant 0 : index
    %get3A_75 = arith.constant 0 : index
    %get3A_76 = vector.load %arg6[%get3A_73, %get3A_74, %get3A_75] : memref<26x26x512xf32, #tpu.memory_space<vmem>>, vector<1x26x512xf32>
    %get3A_77 = vector.shape_cast %get3A_76 : vector<1x26x512xf32> to vector<26x512xf32>
    %dot_general3A_78 = arith.constant dense<0.000000e+00> : vector<256x512xf32>
    %dot_general3A_79 = tpu.matmul %squeeze3A_72, %get3A_77, %dot_general3A_78 {dimension_numbers = #tpu.dot_dimension_numbers<[1], [0], [0], [1], [0, 0, 1, 1], [], []>, transpose_lhs_hint = false} : vector<256x26xf32>, vector<26x512xf32>, vector<256x512xf32> -> vector<256x512xf32>
    %add3A_80 = arith.addf %add3A_70, %dot_general3A_79 : vector<256x512xf32>
    %slice3A_81 = vector.extract_strided_slice %dot_general3A_33 {offsets = [0, 3, 0], sizes = [256, 1, 26], strides = [1, 1, 1]} : vector<256x26x26xf32> to vector<256x1x26xf32>
    %squeeze3A_82 = vector.shape_cast %slice3A_81 : vector<256x1x26xf32> to vector<256x26xf32>
    %get3A_83 = arith.constant 3 : index
    %get3A_84 = arith.constant 0 : index
    %get3A_85 = arith.constant 0 : index
    %get3A_86 = vector.load %arg6[%get3A_83, %get3A_84, %get3A_85] : memref<26x26x512xf32, #tpu.memory_space<vmem>>, vector<1x26x512xf32>
    %get3A_87 = vector.shape_cast %get3A_86 : vector<1x26x512xf32> to vector<26x512xf32>
    %dot_general3A_88 = arith.constant dense<0.000000e+00> : vector<256x512xf32>
    %dot_general3A_89 = tpu.matmul %squeeze3A_82, %get3A_87, %dot_general3A_88 {dimension_numbers = #tpu.dot_dimension_numbers<[1], [0], [0], [1], [0, 0, 1, 1], [], []>, transpose_lhs_hint = false} : vector<256x26xf32>, vector<26x512xf32>, vector<256x512xf32> -> vector<256x512xf32>
    %add3A_90 = arith.addf %add3A_80, %dot_general3A_89 : vector<256x512xf32>
    %slice3A_91 = vector.extract_strided_slice %dot_general3A_33 {offsets = [0, 4, 0], sizes = [256, 1, 26], strides = [1, 1, 1]} : vector<256x26x26xf32> to vector<256x1x26xf32>
    %squeeze3A_92 = vector.shape_cast %slice3A_91 : vector<256x1x26xf32> to vector<256x26xf32>
    %get3A_93 = arith.constant 4 : index
    %get3A_94 = arith.constant 0 : index
    %get3A_95 = arith.constant 0 : index
    %get3A_96 = vector.load %arg6[%get3A_93, %get3A_94, %get3A_95] : memref<26x26x512xf32, #tpu.memory_space<vmem>>, vector<1x26x512xf32>
    %get3A_97 = vector.shape_cast %get3A_96 : vector<1x26x512xf32> to vector<26x512xf32>
    %dot_general3A_98 = arith.constant dense<0.000000e+00> : vector<256x512xf32>
    %dot_general3A_99 = tpu.matmul %squeeze3A_92, %get3A_97, %dot_general3A_98 {dimension_numbers = #tpu.dot_dimension_numbers<[1], [0], [0], [1], [0, 0, 1, 1], [], []>, transpose_lhs_hint = false} : vector<256x26xf32>, vector<26x512xf32>, vector<256x512xf32> -> vector<256x512xf32>
    %add3A_100 = arith.addf %add3A_90, %dot_general3A_99 : vector<256x512xf32>
    %slice3A_101 = vector.extract_strided_slice %dot_general3A_33 {offsets = [0, 5, 0], sizes = [256, 1, 26], strides = [1, 1, 1]} : vector<256x26x26xf32> to vector<256x1x26xf32>
    %squeeze3A_102 = vector.shape_cast %slice3A_101 : vector<256x1x26xf32> to vector<256x26xf32>
    %get3A_103 = arith.constant 5 : index
    %get3A_104 = arith.constant 0 : index
    %get3A_105 = arith.constant 0 : index
    %get3A_106 = vector.load %arg6[%get3A_103, %get3A_104, %get3A_105] : memref<26x26x512xf32, #tpu.memory_space<vmem>>, vector<1x26x512xf32>
    %get3A_107 = vector.shape_cast %get3A_106 : vector<1x26x512xf32> to vector<26x512xf32>
    %dot_general3A_108 = arith.constant dense<0.000000e+00> : vector<256x512xf32>
    %dot_general3A_109 = tpu.matmul %squeeze3A_102, %get3A_107, %dot_general3A_108 {dimension_numbers = #tpu.dot_dimension_numbers<[1], [0], [0], [1], [0, 0, 1, 1], [], []>, transpose_lhs_hint = false} : vector<256x26xf32>, vector<26x512xf32>, vector<256x512xf32> -> vector<256x512xf32>
    %add3A_110 = arith.addf %add3A_100, %dot_general3A_109 : vector<256x512xf32>
    %slice3A_111 = vector.extract_strided_slice %dot_general3A_33 {offsets = [0, 6, 0], sizes = [256, 1, 26], strides = [1, 1, 1]} : vector<256x26x26xf32> to vector<256x1x26xf32>
    %squeeze3A_112 = vector.shape_cast %slice3A_111 : vector<256x1x26xf32> to vector<256x26xf32>
    %get3A_113 = arith.constant 6 : index
    %get3A_114 = arith.constant 0 : index
    %get3A_115 = arith.constant 0 : index
    %get3A_116 = vector.load %arg6[%get3A_113, %get3A_114, %get3A_115] : memref<26x26x512xf32, #tpu.memory_space<vmem>>, vector<1x26x512xf32>
    %get3A_117 = vector.shape_cast %get3A_116 : vector<1x26x512xf32> to vector<26x512xf32>
    %dot_general3A_118 = arith.constant dense<0.000000e+00> : vector<256x512xf32>
    %dot_general3A_119 = tpu.matmul %squeeze3A_112, %get3A_117, %dot_general3A_118 {dimension_numbers = #tpu.dot_dimension_numbers<[1], [0], [0], [1], [0, 0, 1, 1], [], []>, transpose_lhs_hint = false} : vector<256x26xf32>, vector<26x512xf32>, vector<256x512xf32> -> vector<256x512xf32>
    %add3A_120 = arith.addf %add3A_110, %dot_general3A_119 : vector<256x512xf32>
    %slice3A_121 = vector.extract_strided_slice %dot_general3A_33 {offsets = [0, 7, 0], sizes = [256, 1, 26], strides = [1, 1, 1]} : vector<256x26x26xf32> to vector<256x1x26xf32>
    %squeeze3A_122 = vector.shape_cast %slice3A_121 : vector<256x1x26xf32> to vector<256x26xf32>
    %get3A_123 = arith.constant 7 : index
    %get3A_124 = arith.constant 0 : index
    %get3A_125 = arith.constant 0 : index
    %get3A_126 = vector.load %arg6[%get3A_123, %get3A_124, %get3A_125] : memref<26x26x512xf32, #tpu.memory_space<vmem>>, vector<1x26x512xf32>
    %get3A_127 = vector.shape_cast %get3A_126 : vector<1x26x512xf32> to vector<26x512xf32>
    %dot_general3A_128 = arith.constant dense<0.000000e+00> : vector<256x512xf32>
    %dot_general3A_129 = tpu.matmul %squeeze3A_122, %get3A_127, %dot_general3A_128 {dimension_numbers = #tpu.dot_dimension_numbers<[1], [0], [0], [1], [0, 0, 1, 1], [], []>, transpose_lhs_hint = false} : vector<256x26xf32>, vector<26x512xf32>, vector<256x512xf32> -> vector<256x512xf32>
    %add3A_130 = arith.addf %add3A_120, %dot_general3A_129 : vector<256x512xf32>
    %slice3A_131 = vector.extract_strided_slice %dot_general3A_33 {offsets = [0, 8, 0], sizes = [256, 1, 26], strides = [1, 1, 1]} : vector<256x26x26xf32> to vector<256x1x26xf32>
    %squeeze3A_132 = vector.shape_cast %slice3A_131 : vector<256x1x26xf32> to vector<256x26xf32>
    %get3A_133 = arith.constant 8 : index
    %get3A_134 = arith.constant 0 : index
    %get3A_135 = arith.constant 0 : index
    %get3A_136 = vector.load %arg6[%get3A_133, %get3A_134, %get3A_135] : memref<26x26x512xf32, #tpu.memory_space<vmem>>, vector<1x26x512xf32>
    %get3A_137 = vector.shape_cast %get3A_136 : vector<1x26x512xf32> to vector<26x512xf32>
    %dot_general3A_138 = arith.constant dense<0.000000e+00> : vector<256x512xf32>
    %dot_general3A_139 = tpu.matmul %squeeze3A_132, %get3A_137, %dot_general3A_138 {dimension_numbers = #tpu.dot_dimension_numbers<[1], [0], [0], [1], [0, 0, 1, 1], [], []>, transpose_lhs_hint = false} : vector<256x26xf32>, vector<26x512xf32>, vector<256x512xf32> -> vector<256x512xf32>
    %add3A_140 = arith.addf %add3A_130, %dot_general3A_139 : vector<256x512xf32>
    %slice3A_141 = vector.extract_strided_slice %dot_general3A_33 {offsets = [0, 9, 0], sizes = [256, 1, 26], strides = [1, 1, 1]} : vector<256x26x26xf32> to vector<256x1x26xf32>
    %squeeze3A_142 = vector.shape_cast %slice3A_141 : vector<256x1x26xf32> to vector<256x26xf32>
    %get3A_143 = arith.constant 9 : index
    %get3A_144 = arith.constant 0 : index
    %get3A_145 = arith.constant 0 : index
    %get3A_146 = vector.load %arg6[%get3A_143, %get3A_144, %get3A_145] : memref<26x26x512xf32, #tpu.memory_space<vmem>>, vector<1x26x512xf32>
    %get3A_147 = vector.shape_cast %get3A_146 : vector<1x26x512xf32> to vector<26x512xf32>
    %dot_general3A_148 = arith.constant dense<0.000000e+00> : vector<256x512xf32>
    %dot_general3A_149 = tpu.matmul %squeeze3A_142, %get3A_147, %dot_general3A_148 {dimension_numbers = #tpu.dot_dimension_numbers<[1], [0], [0], [1], [0, 0, 1, 1], [], []>, transpose_lhs_hint = false} : vector<256x26xf32>, vector<26x512xf32>, vector<256x512xf32> -> vector<256x512xf32>
    %add3A_150 = arith.addf %add3A_140, %dot_general3A_149 : vector<256x512xf32>
    %slice3A_151 = vector.extract_strided_slice %dot_general3A_33 {offsets = [0, 10, 0], sizes = [256, 1, 26], strides = [1, 1, 1]} : vector<256x26x26xf32> to vector<256x1x26xf32>
    %squeeze3A_152 = vector.shape_cast %slice3A_151 : vector<256x1x26xf32> to vector<256x26xf32>
    %get3A_153 = arith.constant 10 : index
    %get3A_154 = arith.constant 0 : index
    %get3A_155 = arith.constant 0 : index
    %get3A_156 = vector.load %arg6[%get3A_153, %get3A_154, %get3A_155] : memref<26x26x512xf32, #tpu.memory_space<vmem>>, vector<1x26x512xf32>
    %get3A_157 = vector.shape_cast %get3A_156 : vector<1x26x512xf32> to vector<26x512xf32>
    %dot_general3A_158 = arith.constant dense<0.000000e+00> : vector<256x512xf32>
    %dot_general3A_159 = tpu.matmul %squeeze3A_152, %get3A_157, %dot_general3A_158 {dimension_numbers = #tpu.dot_dimension_numbers<[1], [0], [0], [1], [0, 0, 1, 1], [], []>, transpose_lhs_hint = false} : vector<256x26xf32>, vector<26x512xf32>, vector<256x512xf32> -> vector<256x512xf32>
    %add3A_160 = arith.addf %add3A_150, %dot_general3A_159 : vector<256x512xf32>
    %slice3A_161 = vector.extract_strided_slice %dot_general3A_33 {offsets = [0, 11, 0], sizes = [256, 1, 26], strides = [1, 1, 1]} : vector<256x26x26xf32> to vector<256x1x26xf32>
    %squeeze3A_162 = vector.shape_cast %slice3A_161 : vector<256x1x26xf32> to vector<256x26xf32>
    %get3A_163 = arith.constant 11 : index
    %get3A_164 = arith.constant 0 : index
    %get3A_165 = arith.constant 0 : index
    %get3A_166 = vector.load %arg6[%get3A_163, %get3A_164, %get3A_165] : memref<26x26x512xf32, #tpu.memory_space<vmem>>, vector<1x26x512xf32>
    %get3A_167 = vector.shape_cast %get3A_166 : vector<1x26x512xf32> to vector<26x512xf32>
    %dot_general3A_168 = arith.constant dense<0.000000e+00> : vector<256x512xf32>
    %dot_general3A_169 = tpu.matmul %squeeze3A_162, %get3A_167, %dot_general3A_168 {dimension_numbers = #tpu.dot_dimension_numbers<[1], [0], [0], [1], [0, 0, 1, 1], [], []>, transpose_lhs_hint = false} : vector<256x26xf32>, vector<26x512xf32>, vector<256x512xf32> -> vector<256x512xf32>
    %add3A_170 = arith.addf %add3A_160, %dot_general3A_169 : vector<256x512xf32>
    %slice3A_171 = vector.extract_strided_slice %dot_general3A_33 {offsets = [0, 12, 0], sizes = [256, 1, 26], strides = [1, 1, 1]} : vector<256x26x26xf32> to vector<256x1x26xf32>
    %squeeze3A_172 = vector.shape_cast %slice3A_171 : vector<256x1x26xf32> to vector<256x26xf32>
    %get3A_173 = arith.constant 12 : index
    %get3A_174 = arith.constant 0 : index
    %get3A_175 = arith.constant 0 : index
    %get3A_176 = vector.load %arg6[%get3A_173, %get3A_174, %get3A_175] : memref<26x26x512xf32, #tpu.memory_space<vmem>>, vector<1x26x512xf32>
    %get3A_177 = vector.shape_cast %get3A_176 : vector<1x26x512xf32> to vector<26x512xf32>
    %dot_general3A_178 = arith.constant dense<0.000000e+00> : vector<256x512xf32>
    %dot_general3A_179 = tpu.matmul %squeeze3A_172, %get3A_177, %dot_general3A_178 {dimension_numbers = #tpu.dot_dimension_numbers<[1], [0], [0], [1], [0, 0, 1, 1], [], []>, transpose_lhs_hint = false} : vector<256x26xf32>, vector<26x512xf32>, vector<256x512xf32> -> vector<256x512xf32>
    %add3A_180 = arith.addf %add3A_170, %dot_general3A_179 : vector<256x512xf32>
    %slice3A_181 = vector.extract_strided_slice %dot_general3A_33 {offsets = [0, 13, 0], sizes = [256, 1, 26], strides = [1, 1, 1]} : vector<256x26x26xf32> to vector<256x1x26xf32>
    %squeeze3A_182 = vector.shape_cast %slice3A_181 : vector<256x1x26xf32> to vector<256x26xf32>
    %get3A_183 = arith.constant 13 : index
    %get3A_184 = arith.constant 0 : index
    %get3A_185 = arith.constant 0 : index
    %get3A_186 = vector.load %arg6[%get3A_183, %get3A_184, %get3A_185] : memref<26x26x512xf32, #tpu.memory_space<vmem>>, vector<1x26x512xf32>
    %get3A_187 = vector.shape_cast %get3A_186 : vector<1x26x512xf32> to vector<26x512xf32>
    %dot_general3A_188 = arith.constant dense<0.000000e+00> : vector<256x512xf32>
    %dot_general3A_189 = tpu.matmul %squeeze3A_182, %get3A_187, %dot_general3A_188 {dimension_numbers = #tpu.dot_dimension_numbers<[1], [0], [0], [1], [0, 0, 1, 1], [], []>, transpose_lhs_hint = false} : vector<256x26xf32>, vector<26x512xf32>, vector<256x512xf32> -> vector<256x512xf32>
    %add3A_190 = arith.addf %add3A_180, %dot_general3A_189 : vector<256x512xf32>
    %slice3A_191 = vector.extract_strided_slice %dot_general3A_33 {offsets = [0, 14, 0], sizes = [256, 1, 26], strides = [1, 1, 1]} : vector<256x26x26xf32> to vector<256x1x26xf32>
    %squeeze3A_192 = vector.shape_cast %slice3A_191 : vector<256x1x26xf32> to vector<256x26xf32>
    %get3A_193 = arith.constant 14 : index
    %get3A_194 = arith.constant 0 : index
    %get3A_195 = arith.constant 0 : index
    %get3A_196 = vector.load %arg6[%get3A_193, %get3A_194, %get3A_195] : memref<26x26x512xf32, #tpu.memory_space<vmem>>, vector<1x26x512xf32>
    %get3A_197 = vector.shape_cast %get3A_196 : vector<1x26x512xf32> to vector<26x512xf32>
    %dot_general3A_198 = arith.constant dense<0.000000e+00> : vector<256x512xf32>
    %dot_general3A_199 = tpu.matmul %squeeze3A_192, %get3A_197, %dot_general3A_198 {dimension_numbers = #tpu.dot_dimension_numbers<[1], [0], [0], [1], [0, 0, 1, 1], [], []>, transpose_lhs_hint = false} : vector<256x26xf32>, vector<26x512xf32>, vector<256x512xf32> -> vector<256x512xf32>
    %add3A_200 = arith.addf %add3A_190, %dot_general3A_199 : vector<256x512xf32>
    %slice3A_201 = vector.extract_strided_slice %dot_general3A_33 {offsets = [0, 15, 0], sizes = [256, 1, 26], strides = [1, 1, 1]} : vector<256x26x26xf32> to vector<256x1x26xf32>
    %squeeze3A_202 = vector.shape_cast %slice3A_201 : vector<256x1x26xf32> to vector<256x26xf32>
    %get3A_203 = arith.constant 15 : index
    %get3A_204 = arith.constant 0 : index
    %get3A_205 = arith.constant 0 : index
    %get3A_206 = vector.load %arg6[%get3A_203, %get3A_204, %get3A_205] : memref<26x26x512xf32, #tpu.memory_space<vmem>>, vector<1x26x512xf32>
    %get3A_207 = vector.shape_cast %get3A_206 : vector<1x26x512xf32> to vector<26x512xf32>
    %dot_general3A_208 = arith.constant dense<0.000000e+00> : vector<256x512xf32>
    %dot_general3A_209 = tpu.matmul %squeeze3A_202, %get3A_207, %dot_general3A_208 {dimension_numbers = #tpu.dot_dimension_numbers<[1], [0], [0], [1], [0, 0, 1, 1], [], []>, transpose_lhs_hint = false} : vector<256x26xf32>, vector<26x512xf32>, vector<256x512xf32> -> vector<256x512xf32>
    %add3A_210 = arith.addf %add3A_200, %dot_general3A_209 : vector<256x512xf32>
    %slice3A_211 = vector.extract_strided_slice %dot_general3A_33 {offsets = [0, 16, 0], sizes = [256, 1, 26], strides = [1, 1, 1]} : vector<256x26x26xf32> to vector<256x1x26xf32>
    %squeeze3A_212 = vector.shape_cast %slice3A_211 : vector<256x1x26xf32> to vector<256x26xf32>
    %get3A_213 = arith.constant 16 : index
    %get3A_214 = arith.constant 0 : index
    %get3A_215 = arith.constant 0 : index
    %get3A_216 = vector.load %arg6[%get3A_213, %get3A_214, %get3A_215] : memref<26x26x512xf32, #tpu.memory_space<vmem>>, vector<1x26x512xf32>
    %get3A_217 = vector.shape_cast %get3A_216 : vector<1x26x512xf32> to vector<26x512xf32>
    %dot_general3A_218 = arith.constant dense<0.000000e+00> : vector<256x512xf32>
    %dot_general3A_219 = tpu.matmul %squeeze3A_212, %get3A_217, %dot_general3A_218 {dimension_numbers = #tpu.dot_dimension_numbers<[1], [0], [0], [1], [0, 0, 1, 1], [], []>, transpose_lhs_hint = false} : vector<256x26xf32>, vector<26x512xf32>, vector<256x512xf32> -> vector<256x512xf32>
    %add3A_220 = arith.addf %add3A_210, %dot_general3A_219 : vector<256x512xf32>
    %slice3A_221 = vector.extract_strided_slice %dot_general3A_33 {offsets = [0, 17, 0], sizes = [256, 1, 26], strides = [1, 1, 1]} : vector<256x26x26xf32> to vector<256x1x26xf32>
    %squeeze3A_222 = vector.shape_cast %slice3A_221 : vector<256x1x26xf32> to vector<256x26xf32>
    %get3A_223 = arith.constant 17 : index
    %get3A_224 = arith.constant 0 : index
    %get3A_225 = arith.constant 0 : index
    %get3A_226 = vector.load %arg6[%get3A_223, %get3A_224, %get3A_225] : memref<26x26x512xf32, #tpu.memory_space<vmem>>, vector<1x26x512xf32>
    %get3A_227 = vector.shape_cast %get3A_226 : vector<1x26x512xf32> to vector<26x512xf32>
    %dot_general3A_228 = arith.constant dense<0.000000e+00> : vector<256x512xf32>
    %dot_general3A_229 = tpu.matmul %squeeze3A_222, %get3A_227, %dot_general3A_228 {dimension_numbers = #tpu.dot_dimension_numbers<[1], [0], [0], [1], [0, 0, 1, 1], [], []>, transpose_lhs_hint = false} : vector<256x26xf32>, vector<26x512xf32>, vector<256x512xf32> -> vector<256x512xf32>
    %add3A_230 = arith.addf %add3A_220, %dot_general3A_229 : vector<256x512xf32>
    %slice3A_231 = vector.extract_strided_slice %dot_general3A_33 {offsets = [0, 18, 0], sizes = [256, 1, 26], strides = [1, 1, 1]} : vector<256x26x26xf32> to vector<256x1x26xf32>
    %squeeze3A_232 = vector.shape_cast %slice3A_231 : vector<256x1x26xf32> to vector<256x26xf32>
    %get3A_233 = arith.constant 18 : index
    %get3A_234 = arith.constant 0 : index
    %get3A_235 = arith.constant 0 : index
    %get3A_236 = vector.load %arg6[%get3A_233, %get3A_234, %get3A_235] : memref<26x26x512xf32, #tpu.memory_space<vmem>>, vector<1x26x512xf32>
    %get3A_237 = vector.shape_cast %get3A_236 : vector<1x26x512xf32> to vector<26x512xf32>
    %dot_general3A_238 = arith.constant dense<0.000000e+00> : vector<256x512xf32>
    %dot_general3A_239 = tpu.matmul %squeeze3A_232, %get3A_237, %dot_general3A_238 {dimension_numbers = #tpu.dot_dimension_numbers<[1], [0], [0], [1], [0, 0, 1, 1], [], []>, transpose_lhs_hint = false} : vector<256x26xf32>, vector<26x512xf32>, vector<256x512xf32> -> vector<256x512xf32>
    %add3A_240 = arith.addf %add3A_230, %dot_general3A_239 : vector<256x512xf32>
    %slice3A_241 = vector.extract_strided_slice %dot_general3A_33 {offsets = [0, 19, 0], sizes = [256, 1, 26], strides = [1, 1, 1]} : vector<256x26x26xf32> to vector<256x1x26xf32>
    %squeeze3A_242 = vector.shape_cast %slice3A_241 : vector<256x1x26xf32> to vector<256x26xf32>
    %get3A_243 = arith.constant 19 : index
    %get3A_244 = arith.constant 0 : index
    %get3A_245 = arith.constant 0 : index
    %get3A_246 = vector.load %arg6[%get3A_243, %get3A_244, %get3A_245] : memref<26x26x512xf32, #tpu.memory_space<vmem>>, vector<1x26x512xf32>
    %get3A_247 = vector.shape_cast %get3A_246 : vector<1x26x512xf32> to vector<26x512xf32>
    %dot_general3A_248 = arith.constant dense<0.000000e+00> : vector<256x512xf32>
    %dot_general3A_249 = tpu.matmul %squeeze3A_242, %get3A_247, %dot_general3A_248 {dimension_numbers = #tpu.dot_dimension_numbers<[1], [0], [0], [1], [0, 0, 1, 1], [], []>, transpose_lhs_hint = false} : vector<256x26xf32>, vector<26x512xf32>, vector<256x512xf32> -> vector<256x512xf32>
    %add3A_250 = arith.addf %add3A_240, %dot_general3A_249 : vector<256x512xf32>
    %slice3A_251 = vector.extract_strided_slice %dot_general3A_33 {offsets = [0, 20, 0], sizes = [256, 1, 26], strides = [1, 1, 1]} : vector<256x26x26xf32> to vector<256x1x26xf32>
    %squeeze3A_252 = vector.shape_cast %slice3A_251 : vector<256x1x26xf32> to vector<256x26xf32>
    %get3A_253 = arith.constant 20 : index
    %get3A_254 = arith.constant 0 : index
    %get3A_255 = arith.constant 0 : index
    %get3A_256 = vector.load %arg6[%get3A_253, %get3A_254, %get3A_255] : memref<26x26x512xf32, #tpu.memory_space<vmem>>, vector<1x26x512xf32>
    %get3A_257 = vector.shape_cast %get3A_256 : vector<1x26x512xf32> to vector<26x512xf32>
    %dot_general3A_258 = arith.constant dense<0.000000e+00> : vector<256x512xf32>
    %dot_general3A_259 = tpu.matmul %squeeze3A_252, %get3A_257, %dot_general3A_258 {dimension_numbers = #tpu.dot_dimension_numbers<[1], [0], [0], [1], [0, 0, 1, 1], [], []>, transpose_lhs_hint = false} : vector<256x26xf32>, vector<26x512xf32>, vector<256x512xf32> -> vector<256x512xf32>
    %add3A_260 = arith.addf %add3A_250, %dot_general3A_259 : vector<256x512xf32>
    %slice3A_261 = vector.extract_strided_slice %dot_general3A_33 {offsets = [0, 21, 0], sizes = [256, 1, 26], strides = [1, 1, 1]} : vector<256x26x26xf32> to vector<256x1x26xf32>
    %squeeze3A_262 = vector.shape_cast %slice3A_261 : vector<256x1x26xf32> to vector<256x26xf32>
    %get3A_263 = arith.constant 21 : index
    %get3A_264 = arith.constant 0 : index
    %get3A_265 = arith.constant 0 : index
    %get3A_266 = vector.load %arg6[%get3A_263, %get3A_264, %get3A_265] : memref<26x26x512xf32, #tpu.memory_space<vmem>>, vector<1x26x512xf32>
    %get3A_267 = vector.shape_cast %get3A_266 : vector<1x26x512xf32> to vector<26x512xf32>
    %dot_general3A_268 = arith.constant dense<0.000000e+00> : vector<256x512xf32>
    %dot_general3A_269 = tpu.matmul %squeeze3A_262, %get3A_267, %dot_general3A_268 {dimension_numbers = #tpu.dot_dimension_numbers<[1], [0], [0], [1], [0, 0, 1, 1], [], []>, transpose_lhs_hint = false} : vector<256x26xf32>, vector<26x512xf32>, vector<256x512xf32> -> vector<256x512xf32>
    %add3A_270 = arith.addf %add3A_260, %dot_general3A_269 : vector<256x512xf32>
    %slice3A_271 = vector.extract_strided_slice %dot_general3A_33 {offsets = [0, 22, 0], sizes = [256, 1, 26], strides = [1, 1, 1]} : vector<256x26x26xf32> to vector<256x1x26xf32>
    %squeeze3A_272 = vector.shape_cast %slice3A_271 : vector<256x1x26xf32> to vector<256x26xf32>
    %get3A_273 = arith.constant 22 : index
    %get3A_274 = arith.constant 0 : index
    %get3A_275 = arith.constant 0 : index
    %get3A_276 = vector.load %arg6[%get3A_273, %get3A_274, %get3A_275] : memref<26x26x512xf32, #tpu.memory_space<vmem>>, vector<1x26x512xf32>
    %get3A_277 = vector.shape_cast %get3A_276 : vector<1x26x512xf32> to vector<26x512xf32>
    %dot_general3A_278 = arith.constant dense<0.000000e+00> : vector<256x512xf32>
    %dot_general3A_279 = tpu.matmul %squeeze3A_272, %get3A_277, %dot_general3A_278 {dimension_numbers = #tpu.dot_dimension_numbers<[1], [0], [0], [1], [0, 0, 1, 1], [], []>, transpose_lhs_hint = false} : vector<256x26xf32>, vector<26x512xf32>, vector<256x512xf32> -> vector<256x512xf32>
    %add3A_280 = arith.addf %add3A_270, %dot_general3A_279 : vector<256x512xf32>
    %slice3A_281 = vector.extract_strided_slice %dot_general3A_33 {offsets = [0, 23, 0], sizes = [256, 1, 26], strides = [1, 1, 1]} : vector<256x26x26xf32> to vector<256x1x26xf32>
    %squeeze3A_282 = vector.shape_cast %slice3A_281 : vector<256x1x26xf32> to vector<256x26xf32>
    %get3A_283 = arith.constant 23 : index
    %get3A_284 = arith.constant 0 : index
    %get3A_285 = arith.constant 0 : index
    %get3A_286 = vector.load %arg6[%get3A_283, %get3A_284, %get3A_285] : memref<26x26x512xf32, #tpu.memory_space<vmem>>, vector<1x26x512xf32>
    %get3A_287 = vector.shape_cast %get3A_286 : vector<1x26x512xf32> to vector<26x512xf32>
    %dot_general3A_288 = arith.constant dense<0.000000e+00> : vector<256x512xf32>
    %dot_general3A_289 = tpu.matmul %squeeze3A_282, %get3A_287, %dot_general3A_288 {dimension_numbers = #tpu.dot_dimension_numbers<[1], [0], [0], [1], [0, 0, 1, 1], [], []>, transpose_lhs_hint = false} : vector<256x26xf32>, vector<26x512xf32>, vector<256x512xf32> -> vector<256x512xf32>
    %add3A_290 = arith.addf %add3A_280, %dot_general3A_289 : vector<256x512xf32>
    %slice3A_291 = vector.extract_strided_slice %dot_general3A_33 {offsets = [0, 24, 0], sizes = [256, 1, 26], strides = [1, 1, 1]} : vector<256x26x26xf32> to vector<256x1x26xf32>
    %squeeze3A_292 = vector.shape_cast %slice3A_291 : vector<256x1x26xf32> to vector<256x26xf32>
    %get3A_293 = arith.constant 24 : index
    %get3A_294 = arith.constant 0 : index
    %get3A_295 = arith.constant 0 : index
    %get3A_296 = vector.load %arg6[%get3A_293, %get3A_294, %get3A_295] : memref<26x26x512xf32, #tpu.memory_space<vmem>>, vector<1x26x512xf32>
    %get3A_297 = vector.shape_cast %get3A_296 : vector<1x26x512xf32> to vector<26x512xf32>
    %dot_general3A_298 = arith.constant dense<0.000000e+00> : vector<256x512xf32>
    %dot_general3A_299 = tpu.matmul %squeeze3A_292, %get3A_297, %dot_general3A_298 {dimension_numbers = #tpu.dot_dimension_numbers<[1], [0], [0], [1], [0, 0, 1, 1], [], []>, transpose_lhs_hint = false} : vector<256x26xf32>, vector<26x512xf32>, vector<256x512xf32> -> vector<256x512xf32>
    %add3A_300 = arith.addf %add3A_290, %dot_general3A_299 : vector<256x512xf32>
    %slice3A_301 = vector.extract_strided_slice %dot_general3A_33 {offsets = [0, 25, 0], sizes = [256, 1, 26], strides = [1, 1, 1]} : vector<256x26x26xf32> to vector<256x1x26xf32>
    %squeeze3A_302 = vector.shape_cast %slice3A_301 : vector<256x1x26xf32> to vector<256x26xf32>
    %get3A_303 = arith.constant 25 : index
    %get3A_304 = arith.constant 0 : index
    %get3A_305 = arith.constant 0 : index
    %get3A_306 = vector.load %arg6[%get3A_303, %get3A_304, %get3A_305] : memref<26x26x512xf32, #tpu.memory_space<vmem>>, vector<1x26x512xf32>
    %get3A_307 = vector.shape_cast %get3A_306 : vector<1x26x512xf32> to vector<26x512xf32>
    %dot_general3A_308 = arith.constant dense<0.000000e+00> : vector<256x512xf32>
    %dot_general3A_309 = tpu.matmul %squeeze3A_302, %get3A_307, %dot_general3A_308 {dimension_numbers = #tpu.dot_dimension_numbers<[1], [0], [0], [1], [0, 0, 1, 1], [], []>, transpose_lhs_hint = false} : vector<256x26xf32>, vector<26x512xf32>, vector<256x512xf32> -> vector<256x512xf32>
    %add3A_310 = arith.addf %add3A_300, %dot_general3A_309 : vector<256x512xf32>
    %max3A = arith.constant 0.000000e+00 : f32
    %max3A_311 = vector.broadcast %max3A : f32 to vector<256x512xf32>
    %max3A_312 = arith.maximumf %add3A_310, %max3A_311 : vector<256x512xf32>
    %swap3A = arith.constant 0 : index
    %swap3A_313 = arith.constant 0 : index
    %swap3A_314 = vector.load %arg10[%swap3A, %swap3A_313] : memref<256x512xf32, #tpu.memory_space<vmem>>, vector<256x512xf32>
    tpu.vector_store %arg10[%swap3A, %swap3A_313], %max3A_312 {strides = array<i32>} : memref<256x512xf32, #tpu.memory_space<vmem>>, vector<256x512xf32>,
    %reduce_sum3A_315 = arith.constant dense<0.000000e+00> : vector<512xf32>
    %reduce_sum3A_316 = vector.multi_reduction <add>, %max3A_312, %reduce_sum3A_315 [0] : vector<256x512xf32> to vector<512xf32>
    %broadcast_in_dim3A_317 = vector.shape_cast %reduce_sum3A_316 : vector<512xf32> to vector<1x512xf32>
    %mul3A_318 = arith.mulf %max3A_312, %max3A_312 : vector<256x512xf32>
    %reduce_sum3A_319 = arith.constant dense<0.000000e+00> : vector<512xf32>
    %reduce_sum3A_320 = vector.multi_reduction <add>, %mul3A_318, %reduce_sum3A_319 [0] : vector<256x512xf32> to vector<512xf32>
    %broadcast_in_dim3A_321 = vector.shape_cast %reduce_sum3A_320 : vector<512xf32> to vector<1x512xf32>
    %eq3A = arith.constant 0 : i32
    %eq3A_322 = arith.cmpi eq, %arg0, %eq3A : i32
    %convert_element_type3A = arith.extui %eq3A_322 : i1 to i32
    %cond3A = arith.constant 0 : i32
    %cond3A_323 = arith.cmpi ne, %convert_element_type3A, %cond3A : i32
    scf.if %cond3A_323 {
      %broadcast_in_dim3A_338 = arith.constant 0.000000e+00 : f32
      %broadcast_in_dim3A_339 = vector.broadcast %broadcast_in_dim3A_338 : f32 to vector<8x512xf32>
      %swap3A_340 = arith.constant 0 : index
      %swap3A_341 = arith.constant 0 : index
      %swap3A_342 = vector.load %arg11[%swap3A_340, %swap3A_341] : memref<8x512xf32, #tpu.memory_space<vmem>>, vector<8x512xf32>
      tpu.vector_store %arg11[%swap3A_340, %swap3A_341], %broadcast_in_dim3A_339 {strides = array<i32>} : memref<8x512xf32, #tpu.memory_space<vmem>>, vector<8x512xf32>,
    } else {
    }
    %get3A_324 = arith.constant 0 : index
    %get3A_325 = arith.constant 0 : index
    %get3A_326 = vector.load %arg11[%get3A_324, %get3A_325] : memref<8x512xf32, #tpu.memory_space<vmem>>, vector<1x512xf32>
    %add3A_327 = arith.addf %get3A_326, %broadcast_in_dim3A_317 : vector<1x512xf32>
    %swap3A_328 = arith.constant 0 : index
    %swap3A_329 = arith.constant 0 : index
    %swap3A_330 = vector.load %arg11[%swap3A_328, %swap3A_329] : memref<8x512xf32, #tpu.memory_space<vmem>>, vector<1x512xf32>
    tpu.vector_store %arg11[%swap3A_328, %swap3A_329], %add3A_327 {strides = array<i32>} : memref<8x512xf32, #tpu.memory_space<vmem>>, vector<1x512xf32>,
    %get3A_331 = arith.constant 1 : index
    %get3A_332 = arith.constant 0 : index
    %get3A_333 = vector.load %arg11[%get3A_331, %get3A_332] : memref<8x512xf32, #tpu.memory_space<vmem>>, vector<1x512xf32>
    %add3A_334 = arith.addf %get3A_333, %broadcast_in_dim3A_321 : vector<1x512xf32>
    %swap3A_335 = arith.constant 1 : index
    %swap3A_336 = arith.constant 0 : index
    %swap3A_337 = vector.load %arg11[%swap3A_335, %swap3A_336] : memref<8x512xf32, #tpu.memory_space<vmem>>, vector<1x512xf32>
    tpu.vector_store %arg11[%swap3A_335, %swap3A_336], %add3A_334 {strides = array<i32>} : memref<8x512xf32, #tpu.memory_space<vmem>>, vector<1x512xf32>,
    return
  }
  func.func @transform_0(%arg0: i32) -> (i32, i32, i32) {
    %c0_i32 = arith.constant 0 : i32
    %c0_i32_0 = arith.constant 0 : i32
    %c0_i32_1 = arith.constant 0 : i32
    return %arg0, %c0_i32, %c0_i32_0 : i32, i32, i32
  }
  func.func @transform_1(%arg0: i32) -> (i32, i32) {
    %c0_i32 = arith.constant 0 : i32
    %c0_i32_0 = arith.constant 0 : i32
    return %arg0, %c0_i32 : i32, i32
  }
  func.func @transform_2(%arg0: i32) -> (i32, i32) {
    %c0_i32 = arith.constant 0 : i32
    %c0_i32_0 = arith.constant 0 : i32
    %c0_i32_1 = arith.constant 0 : i32
    return %c0_i32, %c0_i32_0 : i32, i32
  }
  func.func @transform_3(%arg0: i32) -> (i32, i32) {
    %c0_i32 = arith.constant 0 : i32
    %c0_i32_0 = arith.constant 0 : i32
    %c0_i32_1 = arith.constant 0 : i32
    return %c0_i32, %c0_i32_0 : i32, i32
  }
  func.func @transform_4(%arg0: i32) -> (i32, i32) {
    %c0_i32 = arith.constant 0 : i32
    %c0_i32_0 = arith.constant 0 : i32
    %c0_i32_1 = arith.constant 0 : i32
    return %c0_i32, %c0_i32_0 : i32, i32
  }
  func.func @transform_5(%arg0: i32) -> (i32, i32, i32) {
    %c0_i32 = arith.constant 0 : i32
    %c0_i32_0 = arith.constant 0 : i32
    %c0_i32_1 = arith.constant 0 : i32
    %c0_i32_2 = arith.constant 0 : i32
    return %c0_i32, %c0_i32_0, %c0_i32_1 : i32, i32, i32
  }
  func.func @transform_6(%arg0: i32) -> (i32, i32) {
    %c0_i32 = arith.constant 0 : i32
    %c0_i32_0 = arith.constant 0 : i32
    %c0_i32_1 = arith.constant 0 : i32
    return %c0_i32, %c0_i32_0 : i32, i32
  }
  func.func @transform_7(%arg0: i32) -> (i32, i32) {
    %c0_i32 = arith.constant 0 : i32
    %c0_i32_0 = arith.constant 0 : i32
    %c0_i32_1 = arith.constant 0 : i32
    return %c0_i32, %c0_i32_0 : i32, i32
  }
  func.func @transform_8(%arg0: i32) -> (i32, i32) {
    %c0_i32 = arith.constant 0 : i32
    %c0_i32_0 = arith.constant 0 : i32
    %c0_i32_1 = arith.constant 0 : i32
    return %c0_i32, %c0_i32_0 : i32, i32
  }
  func.func @transform_9(%arg0: i32) -> (i32, i32) {
    %c0_i32 = arith.constant 0 : i32
    %c0_i32_0 = arith.constant 0 : i32
    return %arg0, %c0_i32 : i32, i32
  }
  func.func @transform_10(%arg0: i32) -> (i32, i32) {
    %c0_i32 = arith.constant 0 : i32
    %c0_i32_0 = arith.constant 0 : i32
    %c0_i32_1 = arith.constant 0 : i32
    return %c0_i32, %c0_i32_0 : i32, i32
  }
}

module attributes {stable_mosaic.version = 14 : i64} {
  func.func @body(%arg0: i32, %arg1: memref<256x256xf32, #tpu.memory_space<vmem>>, %arg2: memref<8x256xf32, #tpu.memory_space<vmem>>, %arg3: memref<1x256xf32, #tpu.memory_space<vmem>>, %arg4: memref<1x256xf32, #tpu.memory_space<vmem>>, %arg5: memref<256x1xf32, #tpu.memory_space<vmem>>, %arg6: memref<1x1xf32, #tpu.memory_space<vmem>>, %arg7: memref<256x1xf32, #tpu.memory_space<vmem>>, %arg8: memref<8x1xf32, #tpu.memory_space<vmem>>) attributes {dimension_semantics = [#tpu.dimension_semantics<arbitrary>], iteration_bounds = array<i64: 16>, scalar_prefetch = 0 : i64, scratch_operands = 0 : i64, tpu.core_type = #tpu.core_type<tc>, window_params = [{transform_indices = @transform_0, window_bounds = array<i64: 256, 256>}, {pipeline_mode = #tpu.pipeline_mode<synchronous>, transform_indices = @transform_1, window_bounds = array<i64: 8, 256>}, {pipeline_mode = #tpu.pipeline_mode<synchronous>, transform_indices = @transform_2, window_bounds = array<i64: 1, 256>}, {pipeline_mode = #tpu.pipeline_mode<synchronous>, transform_indices = @transform_3, window_bounds = array<i64: 1, 256>}, {pipeline_mode = #tpu.pipeline_mode<synchronous>, transform_indices = @transform_4, window_bounds = array<i64: 256, 1>}, {pipeline_mode = #tpu.pipeline_mode<synchronous>, transform_indices = @transform_5, window_bounds = array<i64: 1, 1>}, {transform_indices = @transform_6, window_bounds = array<i64: 256, 1>}, {pipeline_mode = #tpu.pipeline_mode<synchronous>, transform_indices = @transform_7, window_bounds = array<i64: 8, 1>}]} {
    %get3A = arith.constant 0 : index
    %get3A_0 = arith.constant 0 : index
    %get3A_1 = vector.load %arg2[%get3A, %get3A_0] : memref<8x256xf32, #tpu.memory_space<vmem>>, vector<1x256xf32>
    %mul3A = arith.constant 2.44140625E-4 : f32
    %mul3A_2 = vector.broadcast %mul3A : f32 to vector<1x256xf32>
    %mul3A_3 = arith.mulf %get3A_1, %mul3A_2 : vector<1x256xf32>
    %get3A_4 = arith.constant 1 : index
    %get3A_5 = arith.constant 0 : index
    %get3A_6 = vector.load %arg2[%get3A_4, %get3A_5] : memref<8x256xf32, #tpu.memory_space<vmem>>, vector<1x256xf32>
    %mul3A_7 = arith.constant 2.44140625E-4 : f32
    %mul3A_8 = vector.broadcast %mul3A_7 : f32 to vector<1x256xf32>
    %mul3A_9 = arith.mulf %get3A_6, %mul3A_8 : vector<1x256xf32>
    %mul3A_10 = arith.mulf %mul3A_3, %mul3A_3 : vector<1x256xf32>
    %sub3A = arith.subf %mul3A_9, %mul3A_10 : vector<1x256xf32>
    %get3A_11 = arith.constant 0 : index
    %get3A_12 = arith.constant 0 : index
    %get3A_13 = vector.load %arg3[%get3A_11, %get3A_12] : memref<1x256xf32, #tpu.memory_space<vmem>>, vector<1x256xf32>
    %add3A = arith.constant 9.99999974E-6 : f32
    %add3A_14 = vector.broadcast %add3A : f32 to vector<1x256xf32>
    %add3A_15 = arith.addf %sub3A, %add3A_14 : vector<1x256xf32>
    %rsqrt3A = math.rsqrt %add3A_15 : vector<1x256xf32>
    %mul3A_16 = arith.mulf %get3A_13, %rsqrt3A : vector<1x256xf32>
    %get3A_17 = arith.constant 0 : index
    %get3A_18 = arith.constant 0 : index
    %get3A_19 = vector.load %arg4[%get3A_17, %get3A_18] : memref<1x256xf32, #tpu.memory_space<vmem>>, vector<1x256xf32>
    %mul3A_20 = arith.mulf %mul3A_3, %mul3A_16 : vector<1x256xf32>
    %sub3A_21 = arith.subf %get3A_19, %mul3A_20 : vector<1x256xf32>
    %get3A_22 = arith.constant 0 : index
    %get3A_23 = arith.constant 0 : index
    %get3A_24 = vector.load %arg1[%get3A_22, %get3A_23] : memref<256x256xf32, #tpu.memory_space<vmem>>, vector<256x256xf32>
    %mul3A_25 = vector.broadcast %mul3A_16 : vector<1x256xf32> to vector<256x256xf32>
    %mul3A_26 = arith.mulf %get3A_24, %mul3A_25 : vector<256x256xf32>
    %add3A_27 = vector.broadcast %sub3A_21 : vector<1x256xf32> to vector<256x256xf32>
    %add3A_28 = arith.addf %mul3A_26, %add3A_27 : vector<256x256xf32>
    %get3A_29 = arith.constant 0 : index
    %get3A_30 = arith.constant 0 : index
    %get3A_31 = vector.load %arg5[%get3A_29, %get3A_30] : memref<256x1xf32, #tpu.memory_space<vmem>>, vector<256x1xf32>
    %dot_general3A = arith.constant dense<0.000000e+00> : vector<256x1xf32>
    %dot_general3A_32 = tpu.matmul %add3A_28, %get3A_31, %dot_general3A {dimension_numbers = #tpu.dot_dimension_numbers<[1], [0], [0], [1], [0, 0, 1, 1], [], []>, transpose_lhs_hint = false} : vector<256x256xf32>, vector<256x1xf32>, vector<256x1xf32> -> vector<256x1xf32>
    %get3A_33 = arith.constant 0 : index
    %get3A_34 = arith.constant 0 : index
    %get3A_35 = vector.load %arg6[%get3A_33, %get3A_34] : memref<1x1xf32, #tpu.memory_space<vmem>>, vector<1x1xf32>
    %add3A_36 = vector.broadcast %get3A_35 : vector<1x1xf32> to vector<256x1xf32>
    %add3A_37 = arith.addf %dot_general3A_32, %add3A_36 : vector<256x1xf32>
    %max3A = arith.constant 0.000000e+00 : f32
    %max3A_38 = vector.broadcast %max3A : f32 to vector<256x1xf32>
    %max3A_39 = arith.maximumf %add3A_37, %max3A_38 : vector<256x1xf32>
    %swap3A = arith.constant 0 : index
    %swap3A_40 = arith.constant 0 : index
    %swap3A_41 = vector.load %arg7[%swap3A, %swap3A_40] : memref<256x1xf32, #tpu.memory_space<vmem>>, vector<256x1xf32>
    tpu.vector_store %arg7[%swap3A, %swap3A_40], %max3A_39 {strides = array<i32>} : memref<256x1xf32, #tpu.memory_space<vmem>>, vector<256x1xf32>,
    %reduce_sum3A = arith.constant dense<0.000000e+00> : vector<1xf32>
    %reduce_sum3A_42 = vector.multi_reduction <add>, %max3A_39, %reduce_sum3A [0] : vector<256x1xf32> to vector<1xf32>
    %broadcast_in_dim3A = vector.shape_cast %reduce_sum3A_42 : vector<1xf32> to vector<1x1xf32>
    %mul3A_43 = arith.mulf %max3A_39, %max3A_39 : vector<256x1xf32>
    %reduce_sum3A_44 = arith.constant dense<0.000000e+00> : vector<1xf32>
    %reduce_sum3A_45 = vector.multi_reduction <add>, %mul3A_43, %reduce_sum3A_44 [0] : vector<256x1xf32> to vector<1xf32>
    %broadcast_in_dim3A_46 = vector.shape_cast %reduce_sum3A_45 : vector<1xf32> to vector<1x1xf32>
    %eq3A = arith.constant 0 : i32
    %eq3A_47 = arith.cmpi eq, %arg0, %eq3A : i32
    %convert_element_type3A = arith.extui %eq3A_47 : i1 to i32
    %cond3A = arith.constant 0 : i32
    %cond3A_48 = arith.cmpi ne, %convert_element_type3A, %cond3A : i32
    scf.if %cond3A_48 {
      %broadcast_in_dim3A_63 = arith.constant 0.000000e+00 : f32
      %broadcast_in_dim3A_64 = vector.broadcast %broadcast_in_dim3A_63 : f32 to vector<8x1xf32>
      %swap3A_65 = arith.constant 0 : index
      %swap3A_66 = arith.constant 0 : index
      %swap3A_67 = vector.load %arg8[%swap3A_65, %swap3A_66] : memref<8x1xf32, #tpu.memory_space<vmem>>, vector<8x1xf32>
      tpu.vector_store %arg8[%swap3A_65, %swap3A_66], %broadcast_in_dim3A_64 {strides = array<i32>} : memref<8x1xf32, #tpu.memory_space<vmem>>, vector<8x1xf32>,
    } else {
    }
    %get3A_49 = arith.constant 0 : index
    %get3A_50 = arith.constant 0 : index
    %get3A_51 = vector.load %arg8[%get3A_49, %get3A_50] : memref<8x1xf32, #tpu.memory_space<vmem>>, vector<1x1xf32>
    %add3A_52 = arith.addf %get3A_51, %broadcast_in_dim3A : vector<1x1xf32>
    %swap3A_53 = arith.constant 0 : index
    %swap3A_54 = arith.constant 0 : index
    %swap3A_55 = vector.load %arg8[%swap3A_53, %swap3A_54] : memref<8x1xf32, #tpu.memory_space<vmem>>, vector<1x1xf32>
    tpu.vector_store %arg8[%swap3A_53, %swap3A_54], %add3A_52 {strides = array<i32>} : memref<8x1xf32, #tpu.memory_space<vmem>>, vector<1x1xf32>,
    %get3A_56 = arith.constant 1 : index
    %get3A_57 = arith.constant 0 : index
    %get3A_58 = vector.load %arg8[%get3A_56, %get3A_57] : memref<8x1xf32, #tpu.memory_space<vmem>>, vector<1x1xf32>
    %add3A_59 = arith.addf %get3A_58, %broadcast_in_dim3A_46 : vector<1x1xf32>
    %swap3A_60 = arith.constant 1 : index
    %swap3A_61 = arith.constant 0 : index
    %swap3A_62 = vector.load %arg8[%swap3A_60, %swap3A_61] : memref<8x1xf32, #tpu.memory_space<vmem>>, vector<1x1xf32>
    tpu.vector_store %arg8[%swap3A_60, %swap3A_61], %add3A_59 {strides = array<i32>} : memref<8x1xf32, #tpu.memory_space<vmem>>, vector<1x1xf32>,
    return
  }
  func.func @transform_0(%arg0: i32) -> (i32, i32) {
    %c0_i32 = arith.constant 0 : i32
    %c0_i32_0 = arith.constant 0 : i32
    return %arg0, %c0_i32 : i32, i32
  }
  func.func @transform_1(%arg0: i32) -> (i32, i32) {
    %c0_i32 = arith.constant 0 : i32
    %c0_i32_0 = arith.constant 0 : i32
    %c0_i32_1 = arith.constant 0 : i32
    return %c0_i32, %c0_i32_0 : i32, i32
  }
  func.func @transform_2(%arg0: i32) -> (i32, i32) {
    %c0_i32 = arith.constant 0 : i32
    %c0_i32_0 = arith.constant 0 : i32
    %c0_i32_1 = arith.constant 0 : i32
    return %c0_i32, %c0_i32_0 : i32, i32
  }
  func.func @transform_3(%arg0: i32) -> (i32, i32) {
    %c0_i32 = arith.constant 0 : i32
    %c0_i32_0 = arith.constant 0 : i32
    %c0_i32_1 = arith.constant 0 : i32
    return %c0_i32, %c0_i32_0 : i32, i32
  }
  func.func @transform_4(%arg0: i32) -> (i32, i32) {
    %c0_i32 = arith.constant 0 : i32
    %c0_i32_0 = arith.constant 0 : i32
    %c0_i32_1 = arith.constant 0 : i32
    return %c0_i32, %c0_i32_0 : i32, i32
  }
  func.func @transform_5(%arg0: i32) -> (i32, i32) {
    %c0_i32 = arith.constant 0 : i32
    %c0_i32_0 = arith.constant 0 : i32
    %c0_i32_1 = arith.constant 0 : i32
    return %c0_i32, %c0_i32_0 : i32, i32
  }
  func.func @transform_6(%arg0: i32) -> (i32, i32) {
    %c0_i32 = arith.constant 0 : i32
    %c0_i32_0 = arith.constant 0 : i32
    return %arg0, %c0_i32 : i32, i32
  }
  func.func @transform_7(%arg0: i32) -> (i32, i32) {
    %c0_i32 = arith.constant 0 : i32
    %c0_i32_0 = arith.constant 0 : i32
    %c0_i32_1 = arith.constant 0 : i32
    return %c0_i32, %c0_i32_0 : i32, i32
  }
}

module attributes {stable_mosaic.version = 14 : i64} {
  func.func @body(%arg0: i32, %arg1: memref<256x1xf32, #tpu.memory_space<vmem>>, %arg2: memref<8x1xf32, #tpu.memory_space<vmem>>, %arg3: memref<1x1xf32, #tpu.memory_space<vmem>>, %arg4: memref<1x1xf32, #tpu.memory_space<vmem>>, %arg5: memref<256x1xf32, #tpu.memory_space<vmem>>) attributes {dimension_semantics = [#tpu.dimension_semantics<arbitrary>], iteration_bounds = array<i64: 16>, scalar_prefetch = 0 : i64, scratch_operands = 0 : i64, tpu.core_type = #tpu.core_type<tc>, window_params = [{transform_indices = @transform_0, window_bounds = array<i64: 256, 1>}, {pipeline_mode = #tpu.pipeline_mode<synchronous>, transform_indices = @transform_1, window_bounds = array<i64: 8, 1>}, {pipeline_mode = #tpu.pipeline_mode<synchronous>, transform_indices = @transform_2, window_bounds = array<i64: 1, 1>}, {pipeline_mode = #tpu.pipeline_mode<synchronous>, transform_indices = @transform_3, window_bounds = array<i64: 1, 1>}, {transform_indices = @transform_4, window_bounds = array<i64: 256, 1>}]} {
    %get3A = arith.constant 0 : index
    %get3A_0 = arith.constant 0 : index
    %get3A_1 = vector.load %arg2[%get3A, %get3A_0] : memref<8x1xf32, #tpu.memory_space<vmem>>, vector<1x1xf32>
    %mul3A = arith.constant 2.44140625E-4 : f32
    %mul3A_2 = vector.broadcast %mul3A : f32 to vector<1x1xf32>
    %mul3A_3 = arith.mulf %get3A_1, %mul3A_2 : vector<1x1xf32>
    %get3A_4 = arith.constant 1 : index
    %get3A_5 = arith.constant 0 : index
    %get3A_6 = vector.load %arg2[%get3A_4, %get3A_5] : memref<8x1xf32, #tpu.memory_space<vmem>>, vector<1x1xf32>
    %mul3A_7 = arith.constant 2.44140625E-4 : f32
    %mul3A_8 = vector.broadcast %mul3A_7 : f32 to vector<1x1xf32>
    %mul3A_9 = arith.mulf %get3A_6, %mul3A_8 : vector<1x1xf32>
    %mul3A_10 = arith.mulf %mul3A_3, %mul3A_3 : vector<1x1xf32>
    %sub3A = arith.subf %mul3A_9, %mul3A_10 : vector<1x1xf32>
    %get3A_11 = arith.constant 0 : index
    %get3A_12 = arith.constant 0 : index
    %get3A_13 = vector.load %arg3[%get3A_11, %get3A_12] : memref<1x1xf32, #tpu.memory_space<vmem>>, vector<1x1xf32>
    %add3A = arith.constant 9.99999974E-6 : f32
    %add3A_14 = vector.broadcast %add3A : f32 to vector<1x1xf32>
    %add3A_15 = arith.addf %sub3A, %add3A_14 : vector<1x1xf32>
    %rsqrt3A = math.rsqrt %add3A_15 : vector<1x1xf32>
    %mul3A_16 = arith.mulf %get3A_13, %rsqrt3A : vector<1x1xf32>
    %get3A_17 = arith.constant 0 : index
    %get3A_18 = arith.constant 0 : index
    %get3A_19 = vector.load %arg4[%get3A_17, %get3A_18] : memref<1x1xf32, #tpu.memory_space<vmem>>, vector<1x1xf32>
    %mul3A_20 = arith.mulf %mul3A_3, %mul3A_16 : vector<1x1xf32>
    %sub3A_21 = arith.subf %get3A_19, %mul3A_20 : vector<1x1xf32>
    %get3A_22 = arith.constant 0 : index
    %get3A_23 = arith.constant 0 : index
    %get3A_24 = vector.load %arg1[%get3A_22, %get3A_23] : memref<256x1xf32, #tpu.memory_space<vmem>>, vector<256x1xf32>
    %mul3A_25 = vector.broadcast %mul3A_16 : vector<1x1xf32> to vector<256x1xf32>
    %mul3A_26 = arith.mulf %get3A_24, %mul3A_25 : vector<256x1xf32>
    %add3A_27 = vector.broadcast %sub3A_21 : vector<1x1xf32> to vector<256x1xf32>
    %add3A_28 = arith.addf %mul3A_26, %add3A_27 : vector<256x1xf32>
    %logistic3A = arith.negf %add3A_28 : vector<256x1xf32>
    %logistic3A_29 = math.exp %logistic3A : vector<256x1xf32>
    %logistic3A_30 = arith.constant 1.000000e+00 : f32
    %logistic3A_31 = vector.broadcast %logistic3A_30 : f32 to vector<256x1xf32>
    %logistic3A_32 = arith.addf %logistic3A_31, %logistic3A_29 : vector<256x1xf32>
    %logistic3A_33 = arith.divf %logistic3A_31, %logistic3A_32 : vector<256x1xf32>
    %swap3A = arith.constant 0 : index
    %swap3A_34 = arith.constant 0 : index
    %swap3A_35 = vector.load %arg5[%swap3A, %swap3A_34] : memref<256x1xf32, #tpu.memory_space<vmem>>, vector<256x1xf32>
    tpu.vector_store %arg5[%swap3A, %swap3A_34], %logistic3A_33 {strides = array<i32>} : memref<256x1xf32, #tpu.memory_space<vmem>>, vector<256x1xf32>,
    return
  }
  func.func @transform_0(%arg0: i32) -> (i32, i32) {
    %c0_i32 = arith.constant 0 : i32
    %c0_i32_0 = arith.constant 0 : i32
    return %arg0, %c0_i32 : i32, i32
  }
  func.func @transform_1(%arg0: i32) -> (i32, i32) {
    %c0_i32 = arith.constant 0 : i32
    %c0_i32_0 = arith.constant 0 : i32
    %c0_i32_1 = arith.constant 0 : i32
    return %c0_i32, %c0_i32_0 : i32, i32
  }
  func.func @transform_2(%arg0: i32) -> (i32, i32) {
    %c0_i32 = arith.constant 0 : i32
    %c0_i32_0 = arith.constant 0 : i32
    %c0_i32_1 = arith.constant 0 : i32
    return %c0_i32, %c0_i32_0 : i32, i32
  }
  func.func @transform_3(%arg0: i32) -> (i32, i32) {
    %c0_i32 = arith.constant 0 : i32
    %c0_i32_0 = arith.constant 0 : i32
    %c0_i32_1 = arith.constant 0 : i32
    return %c0_i32, %c0_i32_0 : i32, i32
  }
  func.func @transform_4(%arg0: i32) -> (i32, i32) {
    %c0_i32 = arith.constant 0 : i32
    %c0_i32_0 = arith.constant 0 : i32
    return %arg0, %c0_i32 : i32, i32
  }
}

</mosaic_0001>

<sc_bundles>
// kernel: kernel.10.cloned.1.call-start
scs
__scs_entry_jumppad:
0x0: {  	(pc) =	sbr.rel $0x88, $3  }
0x1: {  	(tag) =	ssettag $0x0;
	lr =	simm.s32 $0x1  }
0x2: {  	[smem:$0x3F86] =	sst lr;
	_ =	strace $0xD0000000  }
0x3: {  	_ = 	snop  }
0x4: {  	_ = 	snop  }
0x5: {  	_ = 	snop  }
0x6: {  	_ = 	snop  }
0x7: {  	_ = 	snop  }
__scs_overlays_trampoline_lowered:
0x8: {  	[smem:$0x3F95] =	sst s0  }
0x9: {  	[smem:$0x3F96] =	sst s1  }
0xa: {  	[smem:$0x3F97] =	sst s2  }
0xb: {  	[smem:$0x3F98] =	sst s3  }
0xc: {  	[smem:$0x3F99] =	sst s4  }
0xd: {  	[smem:$0x3F9A] =	sst s5  }
0xe: {  	[smem:$0x3F9B] =	sst s6  }
0xf: {  	[smem:$0x3F9C] =	sst s7  }
0x10: {  	[smem:$0x3F9D] =	sst s8  }
0x11: {  	[smem:$0x3F9E] =	sst s9;
	s0 =	simm.s32 @!p0 $0x0  }
0x12: {  	s1 =	sld [smem:$0x3F84];
	s0 =	simm.s32 @p0 $0x1  }
0x13: {  	[smem:$0x3F9F] =	sst s0;
	s0 =	simm.s32 @!p1 $0x0  }
0x14: {  	s2 =	sld [smem:$0x3F83];
	s0 =	simm.s32 @p1 $0x1  }
0x15: {  	[smem:$0x3FA0] =	sst s0;
	s0 =	simm.s32 @!p2 $0x0  }
0x16: {  	s3 =	sld [smem:$0x3FDB];
	s0 =	simm.s32 @p2 $0x1  }
0x17: {  	s4 =	simm.s32 $0x1BF5;
	[smem:$0x3FA2] =	sst s0  }
0x18: {  	s0 =	sld [smem:$0x3F85];
	_ =	swait.ge [sflag:s4], $0x0  }
0x19: {  	s7 =	sld [smem:$0x3F86]  }
0x1a: {  	s8 =	sadd.s32 $0xFFFFE003, lr  }
0x1b: {  	s9 =	sadd.s32 $0xFFFFFEF7, lr;
	s5 =	simm.s32 $0xFFFFFFFF;
	p2 =	slt.u32 s8, $0xFFFFF086  }
0x1c: {  	p1 =	slt.u32 s9, $0xF7A;
	s5 =	simm.s32 @!p2 $0x0  }
0x1d: {  	s5 =	simm.s32 @p1 $0x1;
	p0 =	seq.s32 s7, s2  }
0x1e: {  	s7 =	smul.u32 @!p0 $0xF7A, s2;
	p2 =	seq.s32 @!p0 s5, $0x0  }
0x1f: {  	s9 =	smul.u32 $0xF7A, s1;
	s8 =	simm.s32 @!p0 $0x1BF5;
	p2 =	por !p2, p0  }
0x20: {  	[sflag:s8] =	ssyncset.s32 @!p0 $0xFFFFF086;
	s6 =	sadd.s32 @!p0 s3, s7;
	s7 =	simm.s32 @!p0 $0x108  }
0x21: {  	s3 =	sadd.s32 s3, s9;
	s6 =	sadd.s32 @!p0 $0x88, s6;
	s7 =	simm.s32 @p2 $0x1082  }
0x22: {  	[simem:s7], [sflag:s8] =	dma.local @!p0 [hbm:s6], $0xF7A  }
0x23: {  	s9 =	sor.u32 $0xD0000000, s2;
	s6 =	simm.s32 $0x108;
	_ =	swait.ge @!p0 [sflag:s8], $0x0  }
0x24: {  	s3 =	sadd.s32 $0x88, s3;
	s6 =	simm.s32 @!p1 $0x1082;
	[sflag:s4] =	ssyncset.s32 $0xFFFFF086  }
0x25: {  	[simem:s6], [sflag:s4] =	dma.local [hbm:s3], $0xF7A  }
0x26: {  	[smem:$0x3F86] =	sst s1;
	(tag) =	ssettag s2;
	_ =	strace s9  }
0x27: {  	s1 =	sld [smem:$0x3F96]  }
0x28: {  	s2 =	sld [smem:$0x3F97]  }
0x29: {  	s4 =	sld [smem:$0x3F99]  }
0x2a: {  	p0 =	seq.s32 s5, $0x0;
	s5 =	sld [smem:$0x3F9A]  }
0x2b: {  	s6 =	sld [smem:$0x3F9B]  }
0x2c: {  	s7 =	sld [smem:$0x3F9C]  }
0x2d: {  	s3 =	simm.s32 $0x108;
	s8 =	sld [smem:$0x3F9D]  }
0x2e: {  	s3 =	simm.s32 @!p0 $0x1082;
	s9 =	sld [smem:$0x3F9E]  }
0x2f: {  	lr =	sadd.s32 s0, s3;
	s0 =	sld [smem:$0x3F95]  }
0x30: {  	s3 =	sld [smem:$0x3F98]  }
0x31: {  	[smem:$0x3FA1] =	sst s10  }
0x32: {  	s10 =	sld [smem:$0x3F9F];
	_ =	sdelay $0x3  }
0x33: {  	p0 =	seq.s32 s10, $0x1;
	s10 =	sld [smem:$0x3FA1];
	_ =	sdelay $0x3  }
0x34: {  	[smem:$0x3FA1] =	sst s10  }
0x35: {  	s10 =	sld [smem:$0x3FA0];
	_ =	sdelay $0x3  }
0x36: {  	p1 =	seq.s32 s10, $0x1;
	s10 =	sld [smem:$0x3FA1];
	_ =	sdelay $0x3  }
0x37: {  	[smem:$0x3FA1] =	sst s10  }
0x38: {  	s10 =	sld [smem:$0x3FA2]  }
0x39: {  	_ = 	snop;
	(pc) =	sbr.ind lr, $3  }
0x3a: {  	_ = 	snop  }
0x3b: {  	_ = 	snop  }
0x3c: {  	p2 =	seq.s32 s10, $0x1;
	s10 =	sld [smem:$0x3FA1]  }
0x3d: {  	_ =	shalt  }
0x3e: {  	_ =	shalt  }
0x3f: {  	_ =	shalt  }
0x40: {  	_ =	shalt  }
0x41: {  	_ =	shalt  }
0x42: {  	_ =	shalt  }
0x43: {  	_ =	shalt  }
0x44: {  	_ =	shalt  }
0x45: {  	_ =	shalt  }
0x46: {  	_ =	shalt  }
0x47: {  	_ =	shalt  }
0x48: {  	_ =	shalt  }
0x49: {  	_ =	shalt  }
0x4a: {  	_ =	shalt  }
0x4b: {  	_ =	shalt  }
0x4c: {  	_ =	shalt  }
0x4d: {  	_ =	shalt  }
0x4e: {  	_ =	shalt  }
0x4f: {  	_ =	shalt  }
0x50: {  	_ =	shalt  }
0x51: {  	_ =	shalt  }
0x52: {  	_ =	shalt  }
0x53: {  	_ =	shalt  }
0x54: {  	_ =	shalt  }
0x55: {  	_ =	shalt  }
0x56: {  	_ =	shalt  }
0x57: {  	_ =	shalt  }
0x58: {  	_ =	shalt  }
0x59: {  	_ =	shalt  }
0x5a: {  	_ =	shalt  }
0x5b: {  	_ =	shalt  }
0x5c: {  	_ =	shalt  }
0x5d: {  	_ =	shalt  }
0x5e: {  	_ =	shalt  }
0x5f: {  	_ =	shalt  }
0x60: {  	_ =	shalt  }
0x61: {  	_ =	shalt  }
0x62: {  	_ =	shalt  }
0x63: {  	_ =	shalt  }
0x64: {  	_ =	shalt  }
0x65: {  	_ =	shalt  }
0x66: {  	_ =	shalt  }
0x67: {  	_ =	shalt  }
0x68: {  	_ =	shalt  }
0x69: {  	_ =	shalt  }
0x6a: {  	_ =	shalt  }
0x6b: {  	_ =	shalt  }
0x6c: {  	_ =	shalt  }
0x6d: {  	_ =	shalt  }
0x6e: {  	_ =	shalt  }
0x6f: {  	_ =	shalt  }
0x70: {  	_ =	shalt  }
0x71: {  	_ =	shalt  }
0x72: {  	_ =	shalt  }
0x73: {  	_ =	shalt  }
0x74: {  	_ =	shalt  }
0x75: {  	_ =	shalt  }
0x76: {  	_ =	shalt  }
0x77: {  	_ =	shalt  }
0x78: {  	_ =	shalt  }
0x79: {  	_ =	shalt  }
0x7a: {  	_ =	shalt  }
0x7b: {  	_ =	shalt  }
0x7c: {  	_ =	shalt  }
0x7d: {  	_ =	shalt  }
0x7e: {  	_ =	shalt  }
0x7f: {  	_ =	shalt  }
0x80: {  	_ =	shalt  }
0x81: {  	_ =	shalt  }
0x82: {  	_ =	shalt  }
0x83: {  	_ =	shalt  }
0x84: {  	_ =	shalt  }
0x85: {  	_ =	shalt  }
0x86: {  	_ =	shalt  }
0x87: {  	_ =	shalt  }
.Lfunc_end0:
.L_simem_size_0:
called_computation_lowered:
.L_overlay_start_0:
0x88: {  	s2 =	sld [smem:$0x3FD9]  }
0x89: {  	s3 =	sld [smem:$0x3FFE];
	_ =	sdelay $0x1  }
0x8a: {  	s1 =	srdreg.scid  }
0x8b: {  	s0 =	sand.u32 $0x1, s1  }
0x8c: {  	s16 =	sshll.u32 s0, $0xA;
	s2 =	sadd.s32 s3, s2  }
0x8d: {  	s2 =	sadd.s32 s2, s16  }
0x8e: {  	[smem:$0x3FAD] =	sst s2  }
0x8f: {  	_ = 	snop  }
0x90: {  	(tm) =	ssettm $0x1  }
0x91: {  	s17 =	sld [smem:$0x3FFB];
	_ =	sdelay $0x3  }
0x92: {  	_ =	strace s17  }
0x93: {  	s2 =	sld [smem:$0x3FFC];
	_ =	sdelay $0x3  }
0x94: {  	_ =	strace s2  }
0x95: {  	s2 =	sld [smem:$0x3FFD];
	_ =	sdelay $0x3  }
0x96: {  	_ =	strace s2  }
0x97: {  	_ =	strace $0x8FFFFFFF  }
0x98: {  	s18 =	sld [smem:$0x3FDB];
	_ =	sdelay $0x1  }
0x99: {  	s19 =	simm.s32 $_scs_section_size  }
0x9a: {  	s4 =	simm.s32 $_size__tile_overlayer_lowered;
	s5 =	simm.s32 $_tile_overlayer_lowered  }
0x9b: {  	s22 =	simm.s32 $0x1BFF;
	s21 =	sshll.u32 s5, $0x1;
	s2 =	sadd.s32 s19, s18  }
0x9c: {  	s6 =	simm.s32 $0x0;
	s20 =	sshll.u32 s4, $0x1;
	s4 =	sadd.s32 s21, s2  }
0x9d: {  	[timem:s6], [sflag:s22] =	dma.local [hbm:s4], s20  }
0x9e: {  	_ =	swait.ge [sflag:s22], s20  }
0x9f: {  	s3 =	ssub.s32 $0x0, s20;
	[sflag:s22] =	ssyncset.done $0x0  }
0xa0: {  	[sflag:s22] =	ssyncadd.s32 s3;
	_ =	sdelay $0x1  }
0xa1: {  	s23 =	simm.s32 $0x1B8B  }
0xa2: {  	_ =	swait.ge [sflag:s23], $0x1  }
0xa3: {  	[sflag:s23] =	ssyncset.done $0x0  }
0xa4: {  	s25 =	simm.s32 $0x1B8E;
	s24 =	sld [smem:$0x3FFE];
	[sflag:s23] =	ssyncadd.s32 $0xFFFFFFFF  }
0xa5: {  	s26 =	simm.s32 $execute0_lowered;
	[smem:$0x3FD2] =	sst s25  }
0xa6: {  	s4 =	sshll.u32 s26, $0x1;
	_ =	strace $0x80000046;
	[dreg:$0x1] =	wrdreg $0xFFFFFFFF  }
0xa7: {  	s28 =	simm.s32 $_size_execute0_lowered;
	s2 =	sadd.s32 s2, s4;
	[dreg:$0x0] =	wrdreg $0x0  }
0xa8: {  	s4 =	sshll.u32 s28, $0x1;
	[dreg:$0x2] =	wrdreg s2  }
0xa9: {  	[dreg:$0x3] =	wrdreg s4  }
0xaa: {  	[dreg:$0x4] =	wrdreg $0xC0  }
0xab: {  	_ =	task [dreg:s6], $0x5FFFF  }
0xac: {  	[dreg:$0x1] =	wrdreg $0xFFFFFFFF  }
0xad: {  	[dreg:$0x0] =	wrdreg $0x60  }
0xae: {  	[dreg:$0x2] =	wrdreg s24  }
0xaf: {  	[dreg:$0x3] =	wrdreg $0x9  }
0xb0: {  	_ =	task.clear_ibuf [dreg:s6], $0x4FFFF;
	_ =	strace $0x90000046  }
0xb1: {  	s29 =	simm.s32 $0x9;
	_ =	strace $0x80000048  }
0xb2: {  	_ =	swait.ge [sflag:s29], $0x1  }
0xb3: {  	[sflag:s29] =	ssyncadd.s32 $0xFFFFFFFF  }
0xb4: {  	_ =	strace $0x90000048  }
0xb5: {  	_ =	sfence  }
0xb6: {  	s30 =	sld [smem:$0x0];
	_ =	sdelay $0x2  }
0xb7: {  	s31 =	sshll.u32 s1, $0xD;
	s1 =	sshrl.u32 s1, $0x2  }
0xb8: {  	s3 =	sand.u32 $0x4000, s31;
	s1 =	sadd.s32 s1, s30  }
0xb9: {  	s0 =	sor.u32 s3, s0;
	s1 =	sshll.u32 s1, $0x11  }
0xba: {  	s0 =	sor.u32 s1, s0  }
0xbb: {  	s0 =	sadd.s32 $0x8F2B, s0  }
0xbc: {  	[sflag:s0] =	ssyncadd.remote.s32 $0x1  }
0xbd: {  	_ =	sfence.sel $0xFFFF  }
0xbe: {  	[dreg:$0x0] =	wrdreg $0xFFFFFFFF;
	(pc) =	sbr.abs _section_cstart, $3  }
0xbf: {  	[dreg:$0x1] =	wrdreg $0xFFFFFFFF  }
0xc0: {  	_ =	task.clear_ibuf [dreg:s6], $0x2FFFF;
	_ =	strace $0x9FFFFFFF  }
0xc1: {  	(tm) =	ssettm $0x7FFFFFFF  }
tec
execute0_lowered:
.L_overlay_start_1:
0x0: {  	(tag) =	ssettag $0x1  }
0x1: {  	s4 =	rddreg [dreg:$0x0]  }
0x2: {  	s0 =	rddreg [dreg:$0x1];
	s2 =	simm.s32 $0x0  }
0x3: {  	s3 =	srdreg.scid;
	s1 =	stileid.u32;
	s11 =	simm.s32 $0x4D00  }
0x4: {  	s12 =	simm.s32 $0x1;
	s13 =	simm.s32 $0x2;
	s14 =	simm.s32 $0x0  }
0x5: {  	[smem:$0x7FF] =	sst s2;
	s5 =	sand.u32 $0x1, s3;
	s25 =	sshrl.u32 s1, $0x2  }
0x6: {  	s6 =	sshll.u32 s1, $0x8;
	s3 =	sadd.s32 $0x27B0A00, s4;
	s26 =	smul.u32 $0x1A000, s1  }
0x7: {  	s7 =	sshll.u32 s5, $0x7;
	_ =	strace $0x80000047;
	s8 =	smul.u32 $0x6800, s25  }
0x8: {  	s28 =	ssub.s32 $0x2, s5;
	s10 =	smul.u32 $0xD000, s5;
	s6 =	sor.u32 s7, s6  }
0x9: {  	s9 =	sshrl.u32 s28, $0x1;
	s30 =	sadd.s32 s26, s4;
	s6 =	sand.u32 $0x380, s6  }
0xa: {  	s7 =	simm.s32 $0x80;
	s31 =	ssub.s32 s28, s9;
	s6 =	sor.u32 s8, s6  }
0xb: {  	s9 =	simm.s32 $0x3;
	s5 =	smax.u32 s31, $0x1;
	s6 =	sshrl.u32 s6, $0x3  }
0xc: {  	s8 =	simm.s32 $0x400;
	s29 =	sadd.s32 s6, s4;
	s6 =	sadd.s32 s10, s30  }
0xd: {  	s10 =	simm.s32 $0xD00;
	s4 =	sadd.s32 $0x27AD600, s29;
	s6 =	sadd.s32 $0x1200, s6  }
.LBB2_1:
0xe: {  	[tilespmem:s2], [sflag:$0x3] =	stream.strided.gather [hbm4b:s4+s7], $0xD00, s8, s7, $0x38;
	[tilespmem:$0x8D00] =	vst v63  }
0xf: {  	_ =	swait.ge [sflag:s9], $0xD00  }
0x10: {  	[sflag:s9] =	ssyncset.done $0x0  }
0x11: {  	s15 =	simm.s32 $0x0;
	[sflag:s9] =	ssyncadd.s32 $0xFFFFF300  }
0x12: {  	[tilespmem:s10], [sflag:$0x1] =	stream.indirect.gather [hbm4b:s3+s7], $0x80, s15, s7, $0xb8;
	[tilespmem:$0x8D00] =	vst v63  }
0x13: {  	s30 =	simm.s32 $0x80  }
0x14: {  	[tilespmem:s11], [sflag:$0x2] =	stream.indirect.gather [hbm4b:s3+s7], $0x80, s30, s7, $0xb8;
	[tilespmem:$0x8D00] =	vst v63  }
0x15: {  	_ =	swait.ge [sflag:s12], $0x4000  }
0x16: {  	[sflag:s12] =	ssyncset.done $0x0  }
0x17: {  	[sflag:s12] =	ssyncadd.s32 $0xFFFFC000  }
0x18: {  	[hbm4b:s6+s2] =	stream.linear.scatter [tilespmem:s10], [sflag:$0x3], $0x4000, $0x38;
	[tilespmem:$0x8D00] =	vst v63  }
0x19: {  	_ =	swait.ge [sflag:s9], $0x4000  }
0x1a: {  	[sflag:s9] =	ssyncset.done $0x0  }
0x1b: {  	[sflag:s9] =	ssyncadd.s32 $0xFFFFC000  }
0x1c: {  	_ =	swait.ge [sflag:s13], $0x4000  }
0x1d: {  	[sflag:s13] =	ssyncset.done $0x0  }
0x1e: {  	s31 =	sadd.s32 $0x800, s6;
	[sflag:s13] =	ssyncadd.s32 $0xFFFFC000  }
0x1f: {  	[hbm4b:s31+s2] =	stream.linear.scatter [tilespmem:s11], [sflag:$0x3], $0x4000, $0x38;
	[tilespmem:$0x8D00] =	vst v63  }
0x20: {  	s16 =	simm.s32 $0x400;
	_ =	swait.ge [sflag:s9], $0x4000  }
0x21: {  	s17 =	simm.s32 $0x800;
	s15 =	sadd.s32 $0x1000, s6;
	[sflag:s9] =	ssyncset.done $0x0  }
.LBB2_2:
0x22: {  	s18 =	sshra.s32 s16, $0x2  }
0x23: {  	[sflag:s9] =	ssyncadd.s32 $0xFFFFC000;
	s16 =	smov.u32 s17;
	s19 =	sadd.s32 $0x400, s17  }
0x24: {  	[tilespmem:s10], [sflag:$0x1] =	stream.indirect.gather [hbm4b:s3+s7], $0x80, s18, s7, $0xb8;
	[tilespmem:$0x8D00] =	vst v63  }
0x25: {  	p0 =	sne.s32 s17, $0x3000;
	s17 =	sadd.s32 $0x80, s18  }
0x26: {  	[tilespmem:s11], [sflag:$0x2] =	stream.indirect.gather [hbm4b:s3+s7], $0x80, s17, s7, $0xb8;
	[tilespmem:$0x8D00] =	vst v63  }
0x27: {  	_ =	swait.ge [sflag:s12], $0x4000  }
0x28: {  	[sflag:s12] =	ssyncset.done $0x0  }
0x29: {  	[sflag:s12] =	ssyncadd.s32 $0xFFFFC000  }
0x2a: {  	[hbm4b:s15+s2] =	stream.linear.scatter [tilespmem:s10], [sflag:$0x3], $0x4000, $0x38;
	[tilespmem:$0x8D00] =	vst v63  }
0x2b: {  	_ =	swait.ge [sflag:s9], $0x4000  }
0x2c: {  	[sflag:s9] =	ssyncset.done $0x0  }
0x2d: {  	[sflag:s9] =	ssyncadd.s32 $0xFFFFC000  }
0x2e: {  	_ =	swait.ge [sflag:s13], $0x4000  }
.Ltmp0:
0x2f: {  	[sflag:s13] =	ssyncset.done $0x0;
	(pc) =	sbr.rel @p0 .LBB2_2-.Ltmp0, $4  }
0x30: {  	s17 =	sadd.s32 $0x800, s15;
	[sflag:s13] =	ssyncadd.s32 $0xFFFFC000  }
0x31: {  	[hbm4b:s17+s2] =	stream.linear.scatter [tilespmem:s11], [sflag:$0x3], $0x4000, $0x38;
	[tilespmem:$0x8D00] =	vst v63  }
0x32: {  	_ =	swait.ge [sflag:s9], $0x4000  }
0x33: {  	s15 =	sadd.s32 $0x1000, s15;
	s17 =	smov.u32 s19;
	[sflag:s9] =	ssyncset.done $0x0  }
0x34: {  	s16 =	sshra.s32 s16, $0x2;
	[sflag:s9] =	ssyncadd.s32 $0xFFFFC000  }
0x35: {  	[tilespmem:s10], [sflag:$0x1] =	stream.indirect.gather [hbm4b:s3+s7], $0x80, s16, s7, $0xb8;
	[tilespmem:$0x8D00] =	vst v63  }
0x36: {  	s16 =	sadd.s32 $0x80, s16  }
0x37: {  	[tilespmem:s11], [sflag:$0x2] =	stream.indirect.gather [hbm4b:s3+s7], $0x80, s16, s7, $0xb8;
	[tilespmem:$0x8D00] =	vst v63  }
0x38: {  	_ =	swait.ge [sflag:s12], $0x4000  }
0x39: {  	[sflag:s12] =	ssyncset.done $0x0  }
0x3a: {  	[sflag:s12] =	ssyncadd.s32 $0xFFFFC000  }
0x3b: {  	[hbm4b:s15+s2] =	stream.linear.scatter [tilespmem:s10], [sflag:$0x3], $0x4000, $0x38;
	[tilespmem:$0x8D00] =	vst v63  }
0x3c: {  	_ =	swait.ge [sflag:s9], $0x4000  }
0x3d: {  	[sflag:s9] =	ssyncset.done $0x0  }
0x3e: {  	[sflag:s9] =	ssyncadd.s32 $0xFFFFC000  }
0x3f: {  	s14 =	sadd.s32 $0x1, s14;
	_ =	swait.ge [sflag:s13], $0x4000  }
0x40: {  	p0 =	sne.s32 s14, s5;
	[sflag:s13] =	ssyncset.done $0x0  }
.Ltmp1:
0x41: {  	s31 =	sadd.s32 $0x800, s15;
	[sflag:s13] =	ssyncadd.s32 $0xFFFFC000;
	(pc) =	sbr.rel @p0 .LBB2_1-.Ltmp1, $4  }
0x42: {  	[hbm4b:s31+s2] =	stream.linear.scatter [tilespmem:s11], [sflag:$0x3], $0x4000, $0x38;
	[tilespmem:$0x8D00] =	vst v63  }
0x43: {  	_ =	swait.ge [sflag:s9], $0x4000  }
0x44: {  	[sflag:s9] =	ssyncset.done $0x0  }
0x45: {  	[sflag:s9] =	ssyncadd.s32 $0xFFFFC000  }
0x46: {  	_ =	sfence.sel $0x180000  }
0x47: {  	[bflag:$0x0] =	sbarrier.arrive $0xFFFF  }
0x48: {  	p0 =	sne.s32 s1, $0x0;
	_ =	strace $0x90000047  }
0x49: {  	s0 =	sadd.s32 @!p0 $0x100000, s0;
	[bflag:$0x2] =	sbarrier.arrive $0xFFFF  }
0x4a: {  	[sflag:s0] =	ssyncadd.tile.s32 @!p0 $0x1;
	_ =	shalt  }
.Lfunc_end2:
_tile_overlayer_lowered:
.L_overlay_start_2:
0x4b: {  	(tag) =	ssettag $0x2  }
0x4c: {  	s0 =	rddreg [dreg:$0x0];
	s2 =	stileid.u32  }
0x4d: {  	s1 =	rddreg [dreg:$0x1];
	p0 =	sne.s32 s2, $0x0  }
0x4e: {  	s3 =	rddreg [dreg:$0x2];
	[bflag:$0x3] =	sbarrier.arrive $0xFFFF;
	s2 =	simm.s32 @!p0 $0x1C03  }
0x4f: {  	[timem:s3], [sflag:s2] =	dma.local @!p0 [hbm:s0], s1  }
0x50: {  	s0 =	simm.s32 @!p0 $0x3  }
0x51: {  	_ =	swait.ge @!p0 [sflag:s0], s1  }
0x52: {  	s1 =	ssub.s32 @!p0 $0x0, s1;
	[sflag:s0] =	ssyncset.done @!p0 $0x0  }
0x53: {  	[sflag:s0] =	ssyncadd.s32 @!p0 s1  }
0x54: {  	[bflag:$0x3] =	sbarrier.arrive $0xFFFF  }
0x55: {  	_ =	shalt  }

</sc_bundles>
